<compile_context>
chip_gen: v7x
topology: tpu7x:2x2x1
jax: 0.10.2.dev20260603
libtpu: 0.0.44.dev20260713+nightly
codegen_flags: <defaults>
</compile_context>

<pallas_src>
import functools

import jax
import jax.numpy as jnp
from jax import lax
from jax.experimental import pallas as pl
from jax.experimental.pallas import tpu as pltpu
from jax.experimental.pallas import tpu_sc as plsc

_B = 256
_CHUNK = 16


def _sc_row_gather(src, idx, n_out):
    info = plsc.get_sparse_core_info()
    nw = info.num_cores * info.num_subcores
    d = src.shape[1]
    assert n_out % (nw * 2 * _CHUNK) == 0
    per_w = n_out // nw
    n_pairs = per_w // (2 * _CHUNK)

    mesh = plsc.VectorSubcoreMesh(core_axis_name="c", subcore_axis_name="s")

    @functools.partial(
        pl.kernel,
        mesh=mesh,
        out_type=jax.ShapeDtypeStruct((n_out, d), src.dtype),
        scratch_types=[
            pltpu.VMEM((per_w,), jnp.int32),
            pltpu.VMEM((2, _CHUNK, d), src.dtype),
            pltpu.SemaphoreType.DMA,
            pltpu.SemaphoreType.DMA,
            pltpu.SemaphoreType.DMA,
            pltpu.SemaphoreType.DMA,
        ],
    )
    def k(src_hbm, idx_hbm, out_hbm, idx_v, rows_v, g0, g1, w0, w1):
        wid = lax.axis_index("s") * info.num_cores + lax.axis_index("c")
        base0 = wid * per_w
        pltpu.sync_copy(idx_hbm.at[pl.ds(base0, per_w)], idx_v)
        gsem = (g0, g1)
        wsem = (w0, w1)

        def gather(c, b):
            return pltpu.make_async_copy(
                src_hbm.at[idx_v.at[pl.ds(c * _CHUNK, _CHUNK)]],
                rows_v.at[b], gsem[b])

        def write(c, b):
            return pltpu.make_async_copy(
                rows_v.at[b], out_hbm.at[pl.ds(base0 + c * _CHUNK, _CHUNK)],
                wsem[b])

        def body(p, _):
            for b in (0, 1):
                c = p * 2 + b

                @pl.when(p > 0)
                def _():
                    write(c, b).wait()

                gather(c, b).start()
            for b in (0, 1):
                c = p * 2 + b
                gather(c, b).wait()
                write(c, b).start()
            return ()

        lax.fori_loop(0, n_pairs, body, (), unroll=False)
        for b in (0, 1):
            write((n_pairs - 1) * 2 + b, b).wait()

    return k(src, idx)


def _mm_kernel(b2e_ref, nused_ref, x_ref, w1_ref, w2_ref, ws_ref, o_ref):
    i = pl.program_id(0)

    @pl.when(i < nused_ref[0])
    def _():
        xb = x_ref[...]
        w1 = w1_ref[0]
        h = lax.dot_general(xb, w1, (((1,), (1,)), ((), ())),
                            preferred_element_type=jnp.float32)
        f = w1.shape[0] // 2
        y = h[:, :f]
        g = h[:, f:]
        act = y * (g * jax.nn.sigmoid(g))
        w2 = w2_ref[0]
        ob = lax.dot_general(act, w2, (((1,), (1,)), ((), ())),
                             preferred_element_type=jnp.float32)
        off = jnp.minimum(i, nused_ref[0] - 1) * x_ref.shape[0]
        o_ref[...] = ob * ws_ref[pl.ds(off, x_ref.shape[0]), :]


def _grouped_mlp(x_sorted, fc1, fc2, w_sorted, b2e, num_used, num_blocks):
    p_max, d_model = x_sorted.shape
    e, two_ff, _ = fc1.shape
    d_ff = two_ff // 2

    def last_used(i, nu):
        return jnp.minimum(i, nu[0] - 1)

    grid_spec = pltpu.PrefetchScalarGridSpec(
        num_scalar_prefetch=2,
        grid=(num_blocks,),
        in_specs=[
            pl.BlockSpec((_B, d_model), lambda i, be, nu: (last_used(i, nu), 0)),
            pl.BlockSpec((1, two_ff, d_model),
                         lambda i, be, nu: (be[last_used(i, nu)], 0, 0)),
            pl.BlockSpec((1, d_model, d_ff),
                         lambda i, be, nu: (be[last_used(i, nu)], 0, 0)),
            pl.BlockSpec((p_max, 1), lambda i, be, nu: (0, 0)),
        ],
        out_specs=pl.BlockSpec((_B, d_model),
                               lambda i, be, nu: (last_used(i, nu), 0)),
    )
    return pl.pallas_call(
        _mm_kernel,
        grid_spec=grid_spec,
        out_shape=jax.ShapeDtypeStruct((p_max, d_model), jnp.float32),
        compiler_params=pltpu.CompilerParams(
            dimension_semantics=("arbitrary",),
            vmem_limit_bytes=100 * 1024 * 1024,
        ),
    )(b2e, num_used, x_sorted, fc1, fc2, w_sorted)


def kernel(x, weights, indices, fc1_weights, fc2_weights):
    t, d_model = x.shape
    e = fc1_weights.shape[0]
    p_max = t + e * _B
    num_blocks = t // _B + e

    flat = indices.reshape(-1).astype(jnp.int32)
    onehot = (flat[:, None] == jnp.arange(e, dtype=jnp.int32)[None, :])
    csum = jnp.cumsum(onehot.astype(jnp.int32), axis=0)
    counts = csum[-1]
    rank = jnp.sum(csum * onehot, axis=1) - 1
    nblk = (counts + _B - 1) // _B
    starts = jnp.concatenate(
        [jnp.zeros((1,), jnp.int32), jnp.cumsum(nblk * _B).astype(jnp.int32)]
    )
    num_used = (starts[e] // _B).reshape(1).astype(jnp.int32)

    pos = (jnp.take(starts, flat) + rank).astype(jnp.int32)
    p = jnp.arange(p_max, dtype=jnp.int32)
    src = (p & (t - 1)).at[pos].set(jnp.arange(t, dtype=jnp.int32))

    blk_p = jnp.arange(num_blocks, dtype=jnp.int32) * _B
    b2e = jnp.minimum(
        jnp.searchsorted(starts[1:], blk_p, side="right").astype(jnp.int32),
        e - 1)

    w_sorted = jnp.zeros((p_max,), jnp.float32).at[pos].set(
        weights[:, 0]).reshape(p_max, 1)

    x_sorted = _sc_row_gather(x, src, p_max)
    y_sorted = _grouped_mlp(x_sorted, fc1_weights, fc2_weights, w_sorted,
                            b2e, num_used, num_blocks)
    out = _sc_row_gather(y_sorted, pos, t)
    return out

# --- scband reference (transcript-rebuilt; emitter-appended) ---
"""Pipeline reference for scband-routed-experts-no-epgrouped-mm-16226386444695 (READ-ONLY COPY).

The authoritative reference and input builder live on the scoring server;
editing this copy changes nothing except your own understanding.
"""

import jax, jax.numpy as jnp
import numpy as np

_ALIGN = 16
T, D_MODEL, D_FF, E, TOP_K = 8192, 2048, 1024, 16, 1


def _pad_sorted_idxs(counts):
    counts = np.asarray(counts, dtype=np.int64)
    padded = ((counts + _ALIGN - 1) // _ALIGN) * _ALIGN
    offs = np.cumsum(padded)
    starts = offs - padded
    idxs = np.concatenate([s + np.arange(c, dtype=np.int64) for s, c in zip(starts, counts)])
    return idxs.astype(np.int64), offs.astype(np.int32)


def setup_inputs(seed: int = 0):
    key = jax.random.key(seed)
    k1, k2, k3, k4, k5 = jax.random.split(key, 5)
    x = jax.random.normal(k1, (T, D_MODEL), dtype=jnp.float32)
    weights = jax.random.uniform(k2, (T, TOP_K), dtype=jnp.float32)
    indices = jax.random.randint(k3, (T, TOP_K), 0, E).astype(jnp.int64)
    fc1_weights = jax.random.normal(k4, (E, 2 * D_FF, D_MODEL), dtype=jnp.float32) / (D_MODEL ** 0.5)
    fc2_weights = jax.random.normal(k5, (E, D_MODEL, D_FF), dtype=jnp.float32) / (D_FF ** 0.5)
    return {"x": x, "weights": weights, "indices": indices, "fc1_weights": fc1_weights, "fc2_weights": fc2_weights}


def reference(x, weights, indices, fc1_weights, fc2_weights):
    n_experts = fc1_weights.shape[0]
    k = indices.shape[-1]
    flat = indices.reshape(-1)
    n_rows = flat.shape[0]
    # each flat routing slot i corresponds to token i // k
    x_by_tok = jnp.take(x, jnp.arange(n_rows) // k, axis=0)
    # per-expert GLU-MLP over all rows, masked-select by traced routing indices;
    # equivalent to the sorted/aligned grouped-MM since the sort, aligned
    # scatter, contiguous slicing, and un-sort form an exact permutation of
    # row-independent computations (padding rows were zero and discarded)
    out_by_tok = jnp.zeros((n_rows, x.shape[-1]), dtype=x.dtype)
    for e in range(n_experts):
        y = x_by_tok @ fc1_weights[e].T
        y, gate = jnp.split(y, 2, axis=-1)
        y = y * jax.nn.silu(gate)
        oe = y @ fc2_weights[e].T
        out_by_tok = jnp.where((flat == e)[:, None], oe, out_by_tok)
    out_by_tok = out_by_tok.reshape(weights.shape + (x.shape[-1],))
    # weighted combine (bmm of weights[:, None] with per-token expert outputs)
    out = jnp.einsum("tk,tkd->td", weights, out_by_tok)
    return out

if __name__ == "__main__":
    import jax
    _d = setup_inputs()
    print(jax.jit(kernel)(*tuple(_d.values())))

</pallas_src>

<mosaic_0001>
#map = affine_map<(d0, d1) -> (0, 0)>
#map1 = affine_map<(d0, d1) -> (0)>
module attributes {stable_mosaic.version = 14 : i64} {
  func.func @k(%arg0: i32, %arg1: i32, %arg2: memref<8192x2048xf32, #tpu.memory_space<hbm>>, %arg3: memref<12288xi32, #tpu.memory_space<hbm>>, %arg4: memref<12288x2048xf32, #tpu.memory_space<hbm>>, %arg5: memref<384xi32, #tpu.memory_space<vmem>>, %arg6: memref<2x16x2048xf32, #tpu.memory_space<vmem>>, %arg7: memref<!tpu.dma_semaphore, #tpu.memory_space<semaphore_mem>>, %arg8: memref<!tpu.dma_semaphore, #tpu.memory_space<semaphore_mem>>, %arg9: memref<!tpu.dma_semaphore, #tpu.memory_space<semaphore_mem>>, %arg10: memref<!tpu.dma_semaphore, #tpu.memory_space<semaphore_mem>>) attributes {dimension_semantics = [#tpu.dimension_semantics<core_parallel>, #tpu.dimension_semantics<subcore_parallel>], iteration_bounds = array<i64: 2, 16>, scalar_prefetch = 0 : i64, scratch_operands = 6 : i64, tpu.core_type = #tpu.core_type<sc_vector_subcore>, window_params = [{transform_indices = #map}, {transform_indices = #map1}, {transform_indices = #map}]} {
    %mul3A = arith.constant 2 : i32
    %mul3A_0 = arith.muli %arg1, %mul3A : i32
    %add3A = arith.addi %mul3A_0, %arg0 : i32
    %mul3A_1 = arith.constant 384 : i32
    %mul3A_2 = arith.muli %add3A, %mul3A_1 : i32
    "tpu.region"() ({
      %run_scoped3A = tpu.sem_alloc : memref<!tpu.dma_semaphore, #tpu.memory_space<semaphore_mem>>
      %dma_start3A = tpu.memref_slice %arg3[%mul3A_2] : memref<12288xi32, #tpu.memory_space<hbm>> -> memref<384xi32, #tpu.memory_space<hbm>>
      %dma_start3A_36 = tpu.memref_slice %arg3[%mul3A_2] : memref<12288xi32, #tpu.memory_space<hbm>> -> memref<384xi32, #tpu.memory_space<hbm>>
      tpu.enqueue_dma source(%dma_start3A_36 : memref<384xi32, #tpu.memory_space<hbm>>) target(%arg5 : memref<384xi32, #tpu.memory_space<vmem>>) target_semaphore(%run_scoped3A : memref<!tpu.dma_semaphore, #tpu.memory_space<semaphore_mem>>)
      %dma_wait3A_37 = tpu.memref_slice %arg3[%mul3A_2] : memref<12288xi32, #tpu.memory_space<hbm>> -> memref<384xi32, #tpu.memory_space<hbm>>
      %dma_wait3A_38 = tpu.memref_slice %arg3[%mul3A_2] : memref<12288xi32, #tpu.memory_space<hbm>> -> memref<384xi32, #tpu.memory_space<hbm>>
      tpu.wait_dma2 semaphore(%run_scoped3A : memref<!tpu.dma_semaphore, #tpu.memory_space<semaphore_mem>>) src(%dma_wait3A_38 : memref<384xi32, #tpu.memory_space<hbm>>) dst(%arg5 : memref<384xi32, #tpu.memory_space<vmem>>)
      tpu.yield
    }) : () -> ()
    %scan3A = arith.constant 0 : i32
    %scan3A_3 = arith.constant 12 : i32
    %scan3A_4 = arith.addi %scan3A, %scan3A_3 : i32
    %scan3A_5 = arith.constant 1 : i32
    scf.for %scan3A_36 = %scan3A to %scan3A_4 step %scan3A_5  : i32 {
      %mul3A_37 = arith.constant 2 : i32
      %mul3A_38 = arith.muli %scan3A_36, %mul3A_37 : i32
      %add3A_39 = arith.constant 0 : i32
      %add3A_40 = arith.addi %mul3A_38, %add3A_39 : i32
      %gt3A = arith.constant 0 : i32
      %gt3A_41 = arith.cmpi sgt, %scan3A_36, %gt3A : i32
      %convert_element_type3A = arith.extui %gt3A_41 : i1 to i32
      %cond3A = arith.constant 0 : i32
      %cond3A_42 = arith.cmpi ne, %convert_element_type3A, %cond3A : i32
      scf.if %cond3A_42 {
        %mul3A_135 = arith.constant 16 : i32
        %mul3A_136 = arith.muli %add3A_40, %mul3A_135 : i32
        %add3A_137 = arith.addi %mul3A_2, %mul3A_136 : i32
        %dma_wait3A_138 = arith.constant 0 : i32
        %dma_wait3A_139 = arith.constant 0 : i32
        %dma_wait3A_140 = arith.constant 0 : i32
        %dma_wait3A_141 = tpu.memref_slice %arg6[%dma_wait3A_138, %dma_wait3A_139, %dma_wait3A_140] : memref<2x16x2048xf32, #tpu.memory_space<vmem>> -> memref<1x16x2048xf32, #tpu.memory_space<vmem>>
        %dma_wait3A_142 = tpu.memref_squeeze %dma_wait3A_141 : memref<1x16x2048xf32, #tpu.memory_space<vmem>> -> memref<16x2048xf32, #tpu.memory_space<vmem>>
        %dma_wait3A_143 = arith.constant 0 : i32
        %dma_wait3A_144 = tpu.memref_slice %arg4[%add3A_137, %dma_wait3A_143] : memref<12288x2048xf32, #tpu.memory_space<hbm>> -> memref<16x2048xf32, #tpu.memory_space<hbm>>
        %dma_wait3A_145 = arith.constant 0 : i32
        %dma_wait3A_146 = tpu.memref_slice %arg4[%add3A_137, %dma_wait3A_145] : memref<12288x2048xf32, #tpu.memory_space<hbm>> -> memref<16x2048xf32, #tpu.memory_space<hbm>>
        %dma_wait3A_147 = arith.constant 0 : i32
        %dma_wait3A_148 = arith.constant 0 : i32
        %dma_wait3A_149 = tpu.memref_slice %arg6[%dma_wait3A_138, %dma_wait3A_147, %dma_wait3A_148] : memref<2x16x2048xf32, #tpu.memory_space<vmem>> -> memref<1x16x2048xf32, #tpu.memory_space<vmem>>
        %dma_wait3A_150 = tpu.memref_squeeze %dma_wait3A_149 : memref<1x16x2048xf32, #tpu.memory_space<vmem>> -> memref<16x2048xf32, #tpu.memory_space<vmem>>
        tpu.wait_dma2 semaphore(%arg9 : memref<!tpu.dma_semaphore, #tpu.memory_space<semaphore_mem>>) src(%dma_wait3A_150 : memref<16x2048xf32, #tpu.memory_space<vmem>>) dst(%dma_wait3A_146 : memref<16x2048xf32, #tpu.memory_space<hbm>>)
      } else {
      }
      %mul3A_43 = arith.constant 16 : i32
      %mul3A_44 = arith.muli %add3A_40, %mul3A_43 : i32
      %dma_start3A = arith.constant 0 : i32
      %dma_start3A_45 = arith.constant 0 : i32
      %dma_start3A_46 = arith.constant 0 : i32
      %dma_start3A_47 = tpu.memref_slice %arg6[%dma_start3A, %dma_start3A_45, %dma_start3A_46] : memref<2x16x2048xf32, #tpu.memory_space<vmem>> -> memref<1x16x2048xf32, #tpu.memory_space<vmem>>
      %dma_start3A_48 = tpu.memref_squeeze %dma_start3A_47 : memref<1x16x2048xf32, #tpu.memory_space<vmem>> -> memref<16x2048xf32, #tpu.memory_space<vmem>>
      %dma_start3A_49 = tpu.memref_slice %arg5[%mul3A_44] : memref<384xi32, #tpu.memory_space<vmem>> -> memref<16xi32, #tpu.memory_space<vmem>>
      %dma_start3A_50 = arith.constant 0 : i32
      %dma_start3A_51 = arith.constant 0 : i32
      %dma_start3A_52 = tpu.memref_slice %arg2[%dma_start3A_50, %dma_start3A_51] : memref<8192x2048xf32, #tpu.memory_space<hbm>> -> memref<8192x2048xf32, #tpu.memory_space<hbm>>
      tpu.enqueue_indirect_dma source(%dma_start3A_52 : memref<8192x2048xf32, #tpu.memory_space<hbm>>) target(%dma_start3A_48 : memref<16x2048xf32, #tpu.memory_space<vmem>>) offsets(%dma_start3A_49 : memref<16xi32, #tpu.memory_space<vmem>>) semaphore(%arg7 : memref<!tpu.dma_semaphore, #tpu.memory_space<semaphore_mem>>)
      %mul3A_53 = arith.constant 2 : i32
      %mul3A_54 = arith.muli %scan3A_36, %mul3A_53 : i32
      %add3A_55 = arith.constant 1 : i32
      %add3A_56 = arith.addi %mul3A_54, %add3A_55 : i32
      %gt3A_57 = arith.constant 0 : i32
      %gt3A_58 = arith.cmpi sgt, %scan3A_36, %gt3A_57 : i32
      %convert_element_type3A_59 = arith.extui %gt3A_58 : i1 to i32
      %cond3A_60 = arith.constant 0 : i32
      %cond3A_61 = arith.cmpi ne, %convert_element_type3A_59, %cond3A_60 : i32
      scf.if %cond3A_61 {
        %mul3A_135 = arith.constant 16 : i32
        %mul3A_136 = arith.muli %add3A_56, %mul3A_135 : i32
        %add3A_137 = arith.addi %mul3A_2, %mul3A_136 : i32
        %dma_wait3A_138 = arith.constant 1 : i32
        %dma_wait3A_139 = arith.constant 0 : i32
        %dma_wait3A_140 = arith.constant 0 : i32
        %dma_wait3A_141 = tpu.memref_slice %arg6[%dma_wait3A_138, %dma_wait3A_139, %dma_wait3A_140] : memref<2x16x2048xf32, #tpu.memory_space<vmem>> -> memref<1x16x2048xf32, #tpu.memory_space<vmem>>
        %dma_wait3A_142 = tpu.memref_squeeze %dma_wait3A_141 : memref<1x16x2048xf32, #tpu.memory_space<vmem>> -> memref<16x2048xf32, #tpu.memory_space<vmem>>
        %dma_wait3A_143 = arith.constant 0 : i32
        %dma_wait3A_144 = tpu.memref_slice %arg4[%add3A_137, %dma_wait3A_143] : memref<12288x2048xf32, #tpu.memory_space<hbm>> -> memref<16x2048xf32, #tpu.memory_space<hbm>>
        %dma_wait3A_145 = arith.constant 0 : i32
        %dma_wait3A_146 = tpu.memref_slice %arg4[%add3A_137, %dma_wait3A_145] : memref<12288x2048xf32, #tpu.memory_space<hbm>> -> memref<16x2048xf32, #tpu.memory_space<hbm>>
        %dma_wait3A_147 = arith.constant 0 : i32
        %dma_wait3A_148 = arith.constant 0 : i32
        %dma_wait3A_149 = tpu.memref_slice %arg6[%dma_wait3A_138, %dma_wait3A_147, %dma_wait3A_148] : memref<2x16x2048xf32, #tpu.memory_space<vmem>> -> memref<1x16x2048xf32, #tpu.memory_space<vmem>>
        %dma_wait3A_150 = tpu.memref_squeeze %dma_wait3A_149 : memref<1x16x2048xf32, #tpu.memory_space<vmem>> -> memref<16x2048xf32, #tpu.memory_space<vmem>>
        tpu.wait_dma2 semaphore(%arg10 : memref<!tpu.dma_semaphore, #tpu.memory_space<semaphore_mem>>) src(%dma_wait3A_150 : memref<16x2048xf32, #tpu.memory_space<vmem>>) dst(%dma_wait3A_146 : memref<16x2048xf32, #tpu.memory_space<hbm>>)
      } else {
      }
      %mul3A_62 = arith.constant 16 : i32
      %mul3A_63 = arith.muli %add3A_56, %mul3A_62 : i32
      %dma_start3A_64 = arith.constant 1 : i32
      %dma_start3A_65 = arith.constant 0 : i32
      %dma_start3A_66 = arith.constant 0 : i32
      %dma_start3A_67 = tpu.memref_slice %arg6[%dma_start3A_64, %dma_start3A_65, %dma_start3A_66] : memref<2x16x2048xf32, #tpu.memory_space<vmem>> -> memref<1x16x2048xf32, #tpu.memory_space<vmem>>
      %dma_start3A_68 = tpu.memref_squeeze %dma_start3A_67 : memref<1x16x2048xf32, #tpu.memory_space<vmem>> -> memref<16x2048xf32, #tpu.memory_space<vmem>>
      %dma_start3A_69 = tpu.memref_slice %arg5[%mul3A_63] : memref<384xi32, #tpu.memory_space<vmem>> -> memref<16xi32, #tpu.memory_space<vmem>>
      %dma_start3A_70 = arith.constant 0 : i32
      %dma_start3A_71 = arith.constant 0 : i32
      %dma_start3A_72 = tpu.memref_slice %arg2[%dma_start3A_70, %dma_start3A_71] : memref<8192x2048xf32, #tpu.memory_space<hbm>> -> memref<8192x2048xf32, #tpu.memory_space<hbm>>
      tpu.enqueue_indirect_dma source(%dma_start3A_72 : memref<8192x2048xf32, #tpu.memory_space<hbm>>) target(%dma_start3A_68 : memref<16x2048xf32, #tpu.memory_space<vmem>>) offsets(%dma_start3A_69 : memref<16xi32, #tpu.memory_space<vmem>>) semaphore(%arg8 : memref<!tpu.dma_semaphore, #tpu.memory_space<semaphore_mem>>)
      %mul3A_73 = arith.constant 2 : i32
      %mul3A_74 = arith.muli %scan3A_36, %mul3A_73 : i32
      %add3A_75 = arith.constant 0 : i32
      %add3A_76 = arith.addi %mul3A_74, %add3A_75 : i32
      %mul3A_77 = arith.constant 16 : i32
      %mul3A_78 = arith.muli %add3A_76, %mul3A_77 : i32
      %dma_wait3A_79 = arith.constant 0 : i32
      %dma_wait3A_80 = arith.constant 0 : i32
      %dma_wait3A_81 = arith.constant 0 : i32
      %dma_wait3A_82 = tpu.memref_slice %arg6[%dma_wait3A_79, %dma_wait3A_80, %dma_wait3A_81] : memref<2x16x2048xf32, #tpu.memory_space<vmem>> -> memref<1x16x2048xf32, #tpu.memory_space<vmem>>
      %dma_wait3A_83 = tpu.memref_squeeze %dma_wait3A_82 : memref<1x16x2048xf32, #tpu.memory_space<vmem>> -> memref<16x2048xf32, #tpu.memory_space<vmem>>
      %dma_wait3A_84 = tpu.memref_slice %arg5[%mul3A_78] : memref<384xi32, #tpu.memory_space<vmem>> -> memref<16xi32, #tpu.memory_space<vmem>>
      %dma_wait3A_85 = arith.constant 0 : i32
      %dma_wait3A_86 = arith.constant 0 : i32
      %dma_wait3A_87 = tpu.memref_slice %arg2[%dma_wait3A_85, %dma_wait3A_86] : memref<8192x2048xf32, #tpu.memory_space<hbm>> -> memref<8192x2048xf32, #tpu.memory_space<hbm>>
      tpu.wait_indirect_dma semaphore(%arg7 : memref<!tpu.dma_semaphore, #tpu.memory_space<semaphore_mem>>) src(%dma_wait3A_87 : memref<8192x2048xf32, #tpu.memory_space<hbm>>) dst(%dma_wait3A_83 : memref<16x2048xf32, #tpu.memory_space<vmem>>)
      %mul3A_88 = arith.constant 16 : i32
      %mul3A_89 = arith.muli %add3A_76, %mul3A_88 : i32
      %add3A_90 = arith.addi %mul3A_2, %mul3A_89 : i32
      %dma_start3A_91 = arith.constant 0 : i32
      %dma_start3A_92 = arith.constant 0 : i32
      %dma_start3A_93 = arith.constant 0 : i32
      %dma_start3A_94 = tpu.memref_slice %arg6[%dma_start3A_91, %dma_start3A_92, %dma_start3A_93] : memref<2x16x2048xf32, #tpu.memory_space<vmem>> -> memref<1x16x2048xf32, #tpu.memory_space<vmem>>
      %dma_start3A_95 = tpu.memref_squeeze %dma_start3A_94 : memref<1x16x2048xf32, #tpu.memory_space<vmem>> -> memref<16x2048xf32, #tpu.memory_space<vmem>>
      %dma_start3A_96 = arith.constant 0 : i32
      %dma_start3A_97 = tpu.memref_slice %arg4[%add3A_90, %dma_start3A_96] : memref<12288x2048xf32, #tpu.memory_space<hbm>> -> memref<16x2048xf32, #tpu.memory_space<hbm>>
      %dma_start3A_98 = arith.constant 0 : i32
      %dma_start3A_99 = tpu.memref_slice %arg4[%add3A_90, %dma_start3A_98] : memref<12288x2048xf32, #tpu.memory_space<hbm>> -> memref<16x2048xf32, #tpu.memory_space<hbm>>
      %dma_start3A_100 = arith.constant 0 : i32
      %dma_start3A_101 = arith.constant 0 : i32
      %dma_start3A_102 = tpu.memref_slice %arg6[%dma_start3A_91, %dma_start3A_100, %dma_start3A_101] : memref<2x16x2048xf32, #tpu.memory_space<vmem>> -> memref<1x16x2048xf32, #tpu.memory_space<vmem>>
      %dma_start3A_103 = tpu.memref_squeeze %dma_start3A_102 : memref<1x16x2048xf32, #tpu.memory_space<vmem>> -> memref<16x2048xf32, #tpu.memory_space<vmem>>
      tpu.enqueue_dma source(%dma_start3A_103 : memref<16x2048xf32, #tpu.memory_space<vmem>>) target(%dma_start3A_99 : memref<16x2048xf32, #tpu.memory_space<hbm>>) target_semaphore(%arg9 : memref<!tpu.dma_semaphore, #tpu.memory_space<semaphore_mem>>)
      %mul3A_104 = arith.constant 2 : i32
      %mul3A_105 = arith.muli %scan3A_36, %mul3A_104 : i32
      %add3A_106 = arith.constant 1 : i32
      %add3A_107 = arith.addi %mul3A_105, %add3A_106 : i32
      %mul3A_108 = arith.constant 16 : i32
      %mul3A_109 = arith.muli %add3A_107, %mul3A_108 : i32
      %dma_wait3A_110 = arith.constant 1 : i32
      %dma_wait3A_111 = arith.constant 0 : i32
      %dma_wait3A_112 = arith.constant 0 : i32
      %dma_wait3A_113 = tpu.memref_slice %arg6[%dma_wait3A_110, %dma_wait3A_111, %dma_wait3A_112] : memref<2x16x2048xf32, #tpu.memory_space<vmem>> -> memref<1x16x2048xf32, #tpu.memory_space<vmem>>
      %dma_wait3A_114 = tpu.memref_squeeze %dma_wait3A_113 : memref<1x16x2048xf32, #tpu.memory_space<vmem>> -> memref<16x2048xf32, #tpu.memory_space<vmem>>
      %dma_wait3A_115 = tpu.memref_slice %arg5[%mul3A_109] : memref<384xi32, #tpu.memory_space<vmem>> -> memref<16xi32, #tpu.memory_space<vmem>>
      %dma_wait3A_116 = arith.constant 0 : i32
      %dma_wait3A_117 = arith.constant 0 : i32
      %dma_wait3A_118 = tpu.memref_slice %arg2[%dma_wait3A_116, %dma_wait3A_117] : memref<8192x2048xf32, #tpu.memory_space<hbm>> -> memref<8192x2048xf32, #tpu.memory_space<hbm>>
      tpu.wait_indirect_dma semaphore(%arg8 : memref<!tpu.dma_semaphore, #tpu.memory_space<semaphore_mem>>) src(%dma_wait3A_118 : memref<8192x2048xf32, #tpu.memory_space<hbm>>) dst(%dma_wait3A_114 : memref<16x2048xf32, #tpu.memory_space<vmem>>)
      %mul3A_119 = arith.constant 16 : i32
      %mul3A_120 = arith.muli %add3A_107, %mul3A_119 : i32
      %add3A_121 = arith.addi %mul3A_2, %mul3A_120 : i32
      %dma_start3A_122 = arith.constant 1 : i32
      %dma_start3A_123 = arith.constant 0 : i32
      %dma_start3A_124 = arith.constant 0 : i32
      %dma_start3A_125 = tpu.memref_slice %arg6[%dma_start3A_122, %dma_start3A_123, %dma_start3A_124] : memref<2x16x2048xf32, #tpu.memory_space<vmem>> -> memref<1x16x2048xf32, #tpu.memory_space<vmem>>
      %dma_start3A_126 = tpu.memref_squeeze %dma_start3A_125 : memref<1x16x2048xf32, #tpu.memory_space<vmem>> -> memref<16x2048xf32, #tpu.memory_space<vmem>>
      %dma_start3A_127 = arith.constant 0 : i32
      %dma_start3A_128 = tpu.memref_slice %arg4[%add3A_121, %dma_start3A_127] : memref<12288x2048xf32, #tpu.memory_space<hbm>> -> memref<16x2048xf32, #tpu.memory_space<hbm>>
      %dma_start3A_129 = arith.constant 0 : i32
      %dma_start3A_130 = tpu.memref_slice %arg4[%add3A_121, %dma_start3A_129] : memref<12288x2048xf32, #tpu.memory_space<hbm>> -> memref<16x2048xf32, #tpu.memory_space<hbm>>
      %dma_start3A_131 = arith.constant 0 : i32
      %dma_start3A_132 = arith.constant 0 : i32
      %dma_start3A_133 = tpu.memref_slice %arg6[%dma_start3A_122, %dma_start3A_131, %dma_start3A_132] : memref<2x16x2048xf32, #tpu.memory_space<vmem>> -> memref<1x16x2048xf32, #tpu.memory_space<vmem>>
      %dma_start3A_134 = tpu.memref_squeeze %dma_start3A_133 : memref<1x16x2048xf32, #tpu.memory_space<vmem>> -> memref<16x2048xf32, #tpu.memory_space<vmem>>
      tpu.enqueue_dma source(%dma_start3A_134 : memref<16x2048xf32, #tpu.memory_space<vmem>>) target(%dma_start3A_130 : memref<16x2048xf32, #tpu.memory_space<hbm>>) target_semaphore(%arg10 : memref<!tpu.dma_semaphore, #tpu.memory_space<semaphore_mem>>)
    }
    %scan3A_6 = arith.constant 12 : i32
    %add3A_7 = arith.constant 352 : i32
    %add3A_8 = arith.addi %mul3A_2, %add3A_7 : i32
    %dma_wait3A = arith.constant 0 : i32
    %dma_wait3A_9 = arith.constant 0 : i32
    %dma_wait3A_10 = arith.constant 0 : i32
    %dma_wait3A_11 = tpu.memref_slice %arg6[%dma_wait3A, %dma_wait3A_9, %dma_wait3A_10] : memref<2x16x2048xf32, #tpu.memory_space<vmem>> -> memref<1x16x2048xf32, #tpu.memory_space<vmem>>
    %dma_wait3A_12 = tpu.memref_squeeze %dma_wait3A_11 : memref<1x16x2048xf32, #tpu.memory_space<vmem>> -> memref<16x2048xf32, #tpu.memory_space<vmem>>
    %dma_wait3A_13 = arith.constant 0 : i32
    %dma_wait3A_14 = tpu.memref_slice %arg4[%add3A_8, %dma_wait3A_13] : memref<12288x2048xf32, #tpu.memory_space<hbm>> -> memref<16x2048xf32, #tpu.memory_space<hbm>>
    %dma_wait3A_15 = arith.constant 0 : i32
    %dma_wait3A_16 = tpu.memref_slice %arg4[%add3A_8, %dma_wait3A_15] : memref<12288x2048xf32, #tpu.memory_space<hbm>> -> memref<16x2048xf32, #tpu.memory_space<hbm>>
    %dma_wait3A_17 = arith.constant 0 : i32
    %dma_wait3A_18 = arith.constant 0 : i32
    %dma_wait3A_19 = tpu.memref_slice %arg6[%dma_wait3A, %dma_wait3A_17, %dma_wait3A_18] : memref<2x16x2048xf32, #tpu.memory_space<vmem>> -> memref<1x16x2048xf32, #tpu.memory_space<vmem>>
    %dma_wait3A_20 = tpu.memref_squeeze %dma_wait3A_19 : memref<1x16x2048xf32, #tpu.memory_space<vmem>> -> memref<16x2048xf32, #tpu.memory_space<vmem>>
    tpu.wait_dma2 semaphore(%arg9 : memref<!tpu.dma_semaphore, #tpu.memory_space<semaphore_mem>>) src(%dma_wait3A_20 : memref<16x2048xf32, #tpu.memory_space<vmem>>) dst(%dma_wait3A_16 : memref<16x2048xf32, #tpu.memory_space<hbm>>)
    %add3A_21 = arith.constant 368 : i32
    %add3A_22 = arith.addi %mul3A_2, %add3A_21 : i32
    %dma_wait3A_23 = arith.constant 1 : i32
    %dma_wait3A_24 = arith.constant 0 : i32
    %dma_wait3A_25 = arith.constant 0 : i32
    %dma_wait3A_26 = tpu.memref_slice %arg6[%dma_wait3A_23, %dma_wait3A_24, %dma_wait3A_25] : memref<2x16x2048xf32, #tpu.memory_space<vmem>> -> memref<1x16x2048xf32, #tpu.memory_space<vmem>>
    %dma_wait3A_27 = tpu.memref_squeeze %dma_wait3A_26 : memref<1x16x2048xf32, #tpu.memory_space<vmem>> -> memref<16x2048xf32, #tpu.memory_space<vmem>>
    %dma_wait3A_28 = arith.constant 0 : i32
    %dma_wait3A_29 = tpu.memref_slice %arg4[%add3A_22, %dma_wait3A_28] : memref<12288x2048xf32, #tpu.memory_space<hbm>> -> memref<16x2048xf32, #tpu.memory_space<hbm>>
    %dma_wait3A_30 = arith.constant 0 : i32
    %dma_wait3A_31 = tpu.memref_slice %arg4[%add3A_22, %dma_wait3A_30] : memref<12288x2048xf32, #tpu.memory_space<hbm>> -> memref<16x2048xf32, #tpu.memory_space<hbm>>
    %dma_wait3A_32 = arith.constant 0 : i32
    %dma_wait3A_33 = arith.constant 0 : i32
    %dma_wait3A_34 = tpu.memref_slice %arg6[%dma_wait3A_23, %dma_wait3A_32, %dma_wait3A_33] : memref<2x16x2048xf32, #tpu.memory_space<vmem>> -> memref<1x16x2048xf32, #tpu.memory_space<vmem>>
    %dma_wait3A_35 = tpu.memref_squeeze %dma_wait3A_34 : memref<1x16x2048xf32, #tpu.memory_space<vmem>> -> memref<16x2048xf32, #tpu.memory_space<vmem>>
    tpu.wait_dma2 semaphore(%arg10 : memref<!tpu.dma_semaphore, #tpu.memory_space<semaphore_mem>>) src(%dma_wait3A_35 : memref<16x2048xf32, #tpu.memory_space<vmem>>) dst(%dma_wait3A_31 : memref<16x2048xf32, #tpu.memory_space<hbm>>)
    return
  }
}

#map = affine_map<(d0, d1) -> (0, 0)>
#map1 = affine_map<(d0, d1) -> (0)>
module attributes {stable_mosaic.version = 14 : i64} {
  func.func @k(%arg0: i32, %arg1: i32, %arg2: memref<12288x2048xf32, #tpu.memory_space<hbm>>, %arg3: memref<8192xi32, #tpu.memory_space<hbm>>, %arg4: memref<8192x2048xf32, #tpu.memory_space<hbm>>, %arg5: memref<256xi32, #tpu.memory_space<vmem>>, %arg6: memref<2x16x2048xf32, #tpu.memory_space<vmem>>, %arg7: memref<!tpu.dma_semaphore, #tpu.memory_space<semaphore_mem>>, %arg8: memref<!tpu.dma_semaphore, #tpu.memory_space<semaphore_mem>>, %arg9: memref<!tpu.dma_semaphore, #tpu.memory_space<semaphore_mem>>, %arg10: memref<!tpu.dma_semaphore, #tpu.memory_space<semaphore_mem>>) attributes {dimension_semantics = [#tpu.dimension_semantics<core_parallel>, #tpu.dimension_semantics<subcore_parallel>], iteration_bounds = array<i64: 2, 16>, scalar_prefetch = 0 : i64, scratch_operands = 6 : i64, tpu.core_type = #tpu.core_type<sc_vector_subcore>, window_params = [{transform_indices = #map}, {transform_indices = #map1}, {transform_indices = #map}]} {
    %mul3A = arith.constant 2 : i32
    %mul3A_0 = arith.muli %arg1, %mul3A : i32
    %add3A = arith.addi %mul3A_0, %arg0 : i32
    %mul3A_1 = arith.constant 256 : i32
    %mul3A_2 = arith.muli %add3A, %mul3A_1 : i32
    "tpu.region"() ({
      %run_scoped3A = tpu.sem_alloc : memref<!tpu.dma_semaphore, #tpu.memory_space<semaphore_mem>>
      %dma_start3A = tpu.memref_slice %arg3[%mul3A_2] : memref<8192xi32, #tpu.memory_space<hbm>> -> memref<256xi32, #tpu.memory_space<hbm>>
      %dma_start3A_36 = tpu.memref_slice %arg3[%mul3A_2] : memref<8192xi32, #tpu.memory_space<hbm>> -> memref<256xi32, #tpu.memory_space<hbm>>
      tpu.enqueue_dma source(%dma_start3A_36 : memref<256xi32, #tpu.memory_space<hbm>>) target(%arg5 : memref<256xi32, #tpu.memory_space<vmem>>) target_semaphore(%run_scoped3A : memref<!tpu.dma_semaphore, #tpu.memory_space<semaphore_mem>>)
      %dma_wait3A_37 = tpu.memref_slice %arg3[%mul3A_2] : memref<8192xi32, #tpu.memory_space<hbm>> -> memref<256xi32, #tpu.memory_space<hbm>>
      %dma_wait3A_38 = tpu.memref_slice %arg3[%mul3A_2] : memref<8192xi32, #tpu.memory_space<hbm>> -> memref<256xi32, #tpu.memory_space<hbm>>
      tpu.wait_dma2 semaphore(%run_scoped3A : memref<!tpu.dma_semaphore, #tpu.memory_space<semaphore_mem>>) src(%dma_wait3A_38 : memref<256xi32, #tpu.memory_space<hbm>>) dst(%arg5 : memref<256xi32, #tpu.memory_space<vmem>>)
      tpu.yield
    }) : () -> ()
    %scan3A = arith.constant 0 : i32
    %scan3A_3 = arith.constant 8 : i32
    %scan3A_4 = arith.addi %scan3A, %scan3A_3 : i32
    %scan3A_5 = arith.constant 1 : i32
    scf.for %scan3A_36 = %scan3A to %scan3A_4 step %scan3A_5  : i32 {
      %mul3A_37 = arith.constant 2 : i32
      %mul3A_38 = arith.muli %scan3A_36, %mul3A_37 : i32
      %add3A_39 = arith.constant 0 : i32
      %add3A_40 = arith.addi %mul3A_38, %add3A_39 : i32
      %gt3A = arith.constant 0 : i32
      %gt3A_41 = arith.cmpi sgt, %scan3A_36, %gt3A : i32
      %convert_element_type3A = arith.extui %gt3A_41 : i1 to i32
      %cond3A = arith.constant 0 : i32
      %cond3A_42 = arith.cmpi ne, %convert_element_type3A, %cond3A : i32
      scf.if %cond3A_42 {
        %mul3A_135 = arith.constant 16 : i32
        %mul3A_136 = arith.muli %add3A_40, %mul3A_135 : i32
        %add3A_137 = arith.addi %mul3A_2, %mul3A_136 : i32
        %dma_wait3A_138 = arith.constant 0 : i32
        %dma_wait3A_139 = arith.constant 0 : i32
        %dma_wait3A_140 = arith.constant 0 : i32
        %dma_wait3A_141 = tpu.memref_slice %arg6[%dma_wait3A_138, %dma_wait3A_139, %dma_wait3A_140] : memref<2x16x2048xf32, #tpu.memory_space<vmem>> -> memref<1x16x2048xf32, #tpu.memory_space<vmem>>
        %dma_wait3A_142 = tpu.memref_squeeze %dma_wait3A_141 : memref<1x16x2048xf32, #tpu.memory_space<vmem>> -> memref<16x2048xf32, #tpu.memory_space<vmem>>
        %dma_wait3A_143 = arith.constant 0 : i32
        %dma_wait3A_144 = tpu.memref_slice %arg4[%add3A_137, %dma_wait3A_143] : memref<8192x2048xf32, #tpu.memory_space<hbm>> -> memref<16x2048xf32, #tpu.memory_space<hbm>>
        %dma_wait3A_145 = arith.constant 0 : i32
        %dma_wait3A_146 = tpu.memref_slice %arg4[%add3A_137, %dma_wait3A_145] : memref<8192x2048xf32, #tpu.memory_space<hbm>> -> memref<16x2048xf32, #tpu.memory_space<hbm>>
        %dma_wait3A_147 = arith.constant 0 : i32
        %dma_wait3A_148 = arith.constant 0 : i32
        %dma_wait3A_149 = tpu.memref_slice %arg6[%dma_wait3A_138, %dma_wait3A_147, %dma_wait3A_148] : memref<2x16x2048xf32, #tpu.memory_space<vmem>> -> memref<1x16x2048xf32, #tpu.memory_space<vmem>>
        %dma_wait3A_150 = tpu.memref_squeeze %dma_wait3A_149 : memref<1x16x2048xf32, #tpu.memory_space<vmem>> -> memref<16x2048xf32, #tpu.memory_space<vmem>>
        tpu.wait_dma2 semaphore(%arg9 : memref<!tpu.dma_semaphore, #tpu.memory_space<semaphore_mem>>) src(%dma_wait3A_150 : memref<16x2048xf32, #tpu.memory_space<vmem>>) dst(%dma_wait3A_146 : memref<16x2048xf32, #tpu.memory_space<hbm>>)
      } else {
      }
      %mul3A_43 = arith.constant 16 : i32
      %mul3A_44 = arith.muli %add3A_40, %mul3A_43 : i32
      %dma_start3A = arith.constant 0 : i32
      %dma_start3A_45 = arith.constant 0 : i32
      %dma_start3A_46 = arith.constant 0 : i32
      %dma_start3A_47 = tpu.memref_slice %arg6[%dma_start3A, %dma_start3A_45, %dma_start3A_46] : memref<2x16x2048xf32, #tpu.memory_space<vmem>> -> memref<1x16x2048xf32, #tpu.memory_space<vmem>>
      %dma_start3A_48 = tpu.memref_squeeze %dma_start3A_47 : memref<1x16x2048xf32, #tpu.memory_space<vmem>> -> memref<16x2048xf32, #tpu.memory_space<vmem>>
      %dma_start3A_49 = tpu.memref_slice %arg5[%mul3A_44] : memref<256xi32, #tpu.memory_space<vmem>> -> memref<16xi32, #tpu.memory_space<vmem>>
      %dma_start3A_50 = arith.constant 0 : i32
      %dma_start3A_51 = arith.constant 0 : i32
      %dma_start3A_52 = tpu.memref_slice %arg2[%dma_start3A_50, %dma_start3A_51] : memref<12288x2048xf32, #tpu.memory_space<hbm>> -> memref<12288x2048xf32, #tpu.memory_space<hbm>>
      tpu.enqueue_indirect_dma source(%dma_start3A_52 : memref<12288x2048xf32, #tpu.memory_space<hbm>>) target(%dma_start3A_48 : memref<16x2048xf32, #tpu.memory_space<vmem>>) offsets(%dma_start3A_49 : memref<16xi32, #tpu.memory_space<vmem>>) semaphore(%arg7 : memref<!tpu.dma_semaphore, #tpu.memory_space<semaphore_mem>>)
      %mul3A_53 = arith.constant 2 : i32
      %mul3A_54 = arith.muli %scan3A_36, %mul3A_53 : i32
      %add3A_55 = arith.constant 1 : i32
      %add3A_56 = arith.addi %mul3A_54, %add3A_55 : i32
      %gt3A_57 = arith.constant 0 : i32
      %gt3A_58 = arith.cmpi sgt, %scan3A_36, %gt3A_57 : i32
      %convert_element_type3A_59 = arith.extui %gt3A_58 : i1 to i32
      %cond3A_60 = arith.constant 0 : i32
      %cond3A_61 = arith.cmpi ne, %convert_element_type3A_59, %cond3A_60 : i32
      scf.if %cond3A_61 {
        %mul3A_135 = arith.constant 16 : i32
        %mul3A_136 = arith.muli %add3A_56, %mul3A_135 : i32
        %add3A_137 = arith.addi %mul3A_2, %mul3A_136 : i32
        %dma_wait3A_138 = arith.constant 1 : i32
        %dma_wait3A_139 = arith.constant 0 : i32
        %dma_wait3A_140 = arith.constant 0 : i32
        %dma_wait3A_141 = tpu.memref_slice %arg6[%dma_wait3A_138, %dma_wait3A_139, %dma_wait3A_140] : memref<2x16x2048xf32, #tpu.memory_space<vmem>> -> memref<1x16x2048xf32, #tpu.memory_space<vmem>>
        %dma_wait3A_142 = tpu.memref_squeeze %dma_wait3A_141 : memref<1x16x2048xf32, #tpu.memory_space<vmem>> -> memref<16x2048xf32, #tpu.memory_space<vmem>>
        %dma_wait3A_143 = arith.constant 0 : i32
        %dma_wait3A_144 = tpu.memref_slice %arg4[%add3A_137, %dma_wait3A_143] : memref<8192x2048xf32, #tpu.memory_space<hbm>> -> memref<16x2048xf32, #tpu.memory_space<hbm>>
        %dma_wait3A_145 = arith.constant 0 : i32
        %dma_wait3A_146 = tpu.memref_slice %arg4[%add3A_137, %dma_wait3A_145] : memref<8192x2048xf32, #tpu.memory_space<hbm>> -> memref<16x2048xf32, #tpu.memory_space<hbm>>
        %dma_wait3A_147 = arith.constant 0 : i32
        %dma_wait3A_148 = arith.constant 0 : i32
        %dma_wait3A_149 = tpu.memref_slice %arg6[%dma_wait3A_138, %dma_wait3A_147, %dma_wait3A_148] : memref<2x16x2048xf32, #tpu.memory_space<vmem>> -> memref<1x16x2048xf32, #tpu.memory_space<vmem>>
        %dma_wait3A_150 = tpu.memref_squeeze %dma_wait3A_149 : memref<1x16x2048xf32, #tpu.memory_space<vmem>> -> memref<16x2048xf32, #tpu.memory_space<vmem>>
        tpu.wait_dma2 semaphore(%arg10 : memref<!tpu.dma_semaphore, #tpu.memory_space<semaphore_mem>>) src(%dma_wait3A_150 : memref<16x2048xf32, #tpu.memory_space<vmem>>) dst(%dma_wait3A_146 : memref<16x2048xf32, #tpu.memory_space<hbm>>)
      } else {
      }
      %mul3A_62 = arith.constant 16 : i32
      %mul3A_63 = arith.muli %add3A_56, %mul3A_62 : i32
      %dma_start3A_64 = arith.constant 1 : i32
      %dma_start3A_65 = arith.constant 0 : i32
      %dma_start3A_66 = arith.constant 0 : i32
      %dma_start3A_67 = tpu.memref_slice %arg6[%dma_start3A_64, %dma_start3A_65, %dma_start3A_66] : memref<2x16x2048xf32, #tpu.memory_space<vmem>> -> memref<1x16x2048xf32, #tpu.memory_space<vmem>>
      %dma_start3A_68 = tpu.memref_squeeze %dma_start3A_67 : memref<1x16x2048xf32, #tpu.memory_space<vmem>> -> memref<16x2048xf32, #tpu.memory_space<vmem>>
      %dma_start3A_69 = tpu.memref_slice %arg5[%mul3A_63] : memref<256xi32, #tpu.memory_space<vmem>> -> memref<16xi32, #tpu.memory_space<vmem>>
      %dma_start3A_70 = arith.constant 0 : i32
      %dma_start3A_71 = arith.constant 0 : i32
      %dma_start3A_72 = tpu.memref_slice %arg2[%dma_start3A_70, %dma_start3A_71] : memref<12288x2048xf32, #tpu.memory_space<hbm>> -> memref<12288x2048xf32, #tpu.memory_space<hbm>>
      tpu.enqueue_indirect_dma source(%dma_start3A_72 : memref<12288x2048xf32, #tpu.memory_space<hbm>>) target(%dma_start3A_68 : memref<16x2048xf32, #tpu.memory_space<vmem>>) offsets(%dma_start3A_69 : memref<16xi32, #tpu.memory_space<vmem>>) semaphore(%arg8 : memref<!tpu.dma_semaphore, #tpu.memory_space<semaphore_mem>>)
      %mul3A_73 = arith.constant 2 : i32
      %mul3A_74 = arith.muli %scan3A_36, %mul3A_73 : i32
      %add3A_75 = arith.constant 0 : i32
      %add3A_76 = arith.addi %mul3A_74, %add3A_75 : i32
      %mul3A_77 = arith.constant 16 : i32
      %mul3A_78 = arith.muli %add3A_76, %mul3A_77 : i32
      %dma_wait3A_79 = arith.constant 0 : i32
      %dma_wait3A_80 = arith.constant 0 : i32
      %dma_wait3A_81 = arith.constant 0 : i32
      %dma_wait3A_82 = tpu.memref_slice %arg6[%dma_wait3A_79, %dma_wait3A_80, %dma_wait3A_81] : memref<2x16x2048xf32, #tpu.memory_space<vmem>> -> memref<1x16x2048xf32, #tpu.memory_space<vmem>>
      %dma_wait3A_83 = tpu.memref_squeeze %dma_wait3A_82 : memref<1x16x2048xf32, #tpu.memory_space<vmem>> -> memref<16x2048xf32, #tpu.memory_space<vmem>>
      %dma_wait3A_84 = tpu.memref_slice %arg5[%mul3A_78] : memref<256xi32, #tpu.memory_space<vmem>> -> memref<16xi32, #tpu.memory_space<vmem>>
      %dma_wait3A_85 = arith.constant 0 : i32
      %dma_wait3A_86 = arith.constant 0 : i32
      %dma_wait3A_87 = tpu.memref_slice %arg2[%dma_wait3A_85, %dma_wait3A_86] : memref<12288x2048xf32, #tpu.memory_space<hbm>> -> memref<12288x2048xf32, #tpu.memory_space<hbm>>
      tpu.wait_indirect_dma semaphore(%arg7 : memref<!tpu.dma_semaphore, #tpu.memory_space<semaphore_mem>>) src(%dma_wait3A_87 : memref<12288x2048xf32, #tpu.memory_space<hbm>>) dst(%dma_wait3A_83 : memref<16x2048xf32, #tpu.memory_space<vmem>>)
      %mul3A_88 = arith.constant 16 : i32
      %mul3A_89 = arith.muli %add3A_76, %mul3A_88 : i32
      %add3A_90 = arith.addi %mul3A_2, %mul3A_89 : i32
      %dma_start3A_91 = arith.constant 0 : i32
      %dma_start3A_92 = arith.constant 0 : i32
      %dma_start3A_93 = arith.constant 0 : i32
      %dma_start3A_94 = tpu.memref_slice %arg6[%dma_start3A_91, %dma_start3A_92, %dma_start3A_93] : memref<2x16x2048xf32, #tpu.memory_space<vmem>> -> memref<1x16x2048xf32, #tpu.memory_space<vmem>>
      %dma_start3A_95 = tpu.memref_squeeze %dma_start3A_94 : memref<1x16x2048xf32, #tpu.memory_space<vmem>> -> memref<16x2048xf32, #tpu.memory_space<vmem>>
      %dma_start3A_96 = arith.constant 0 : i32
      %dma_start3A_97 = tpu.memref_slice %arg4[%add3A_90, %dma_start3A_96] : memref<8192x2048xf32, #tpu.memory_space<hbm>> -> memref<16x2048xf32, #tpu.memory_space<hbm>>
      %dma_start3A_98 = arith.constant 0 : i32
      %dma_start3A_99 = tpu.memref_slice %arg4[%add3A_90, %dma_start3A_98] : memref<8192x2048xf32, #tpu.memory_space<hbm>> -> memref<16x2048xf32, #tpu.memory_space<hbm>>
      %dma_start3A_100 = arith.constant 0 : i32
      %dma_start3A_101 = arith.constant 0 : i32
      %dma_start3A_102 = tpu.memref_slice %arg6[%dma_start3A_91, %dma_start3A_100, %dma_start3A_101] : memref<2x16x2048xf32, #tpu.memory_space<vmem>> -> memref<1x16x2048xf32, #tpu.memory_space<vmem>>
      %dma_start3A_103 = tpu.memref_squeeze %dma_start3A_102 : memref<1x16x2048xf32, #tpu.memory_space<vmem>> -> memref<16x2048xf32, #tpu.memory_space<vmem>>
      tpu.enqueue_dma source(%dma_start3A_103 : memref<16x2048xf32, #tpu.memory_space<vmem>>) target(%dma_start3A_99 : memref<16x2048xf32, #tpu.memory_space<hbm>>) target_semaphore(%arg9 : memref<!tpu.dma_semaphore, #tpu.memory_space<semaphore_mem>>)
      %mul3A_104 = arith.constant 2 : i32
      %mul3A_105 = arith.muli %scan3A_36, %mul3A_104 : i32
      %add3A_106 = arith.constant 1 : i32
      %add3A_107 = arith.addi %mul3A_105, %add3A_106 : i32
      %mul3A_108 = arith.constant 16 : i32
      %mul3A_109 = arith.muli %add3A_107, %mul3A_108 : i32
      %dma_wait3A_110 = arith.constant 1 : i32
      %dma_wait3A_111 = arith.constant 0 : i32
      %dma_wait3A_112 = arith.constant 0 : i32
      %dma_wait3A_113 = tpu.memref_slice %arg6[%dma_wait3A_110, %dma_wait3A_111, %dma_wait3A_112] : memref<2x16x2048xf32, #tpu.memory_space<vmem>> -> memref<1x16x2048xf32, #tpu.memory_space<vmem>>
      %dma_wait3A_114 = tpu.memref_squeeze %dma_wait3A_113 : memref<1x16x2048xf32, #tpu.memory_space<vmem>> -> memref<16x2048xf32, #tpu.memory_space<vmem>>
      %dma_wait3A_115 = tpu.memref_slice %arg5[%mul3A_109] : memref<256xi32, #tpu.memory_space<vmem>> -> memref<16xi32, #tpu.memory_space<vmem>>
      %dma_wait3A_116 = arith.constant 0 : i32
      %dma_wait3A_117 = arith.constant 0 : i32
      %dma_wait3A_118 = tpu.memref_slice %arg2[%dma_wait3A_116, %dma_wait3A_117] : memref<12288x2048xf32, #tpu.memory_space<hbm>> -> memref<12288x2048xf32, #tpu.memory_space<hbm>>
      tpu.wait_indirect_dma semaphore(%arg8 : memref<!tpu.dma_semaphore, #tpu.memory_space<semaphore_mem>>) src(%dma_wait3A_118 : memref<12288x2048xf32, #tpu.memory_space<hbm>>) dst(%dma_wait3A_114 : memref<16x2048xf32, #tpu.memory_space<vmem>>)
      %mul3A_119 = arith.constant 16 : i32
      %mul3A_120 = arith.muli %add3A_107, %mul3A_119 : i32
      %add3A_121 = arith.addi %mul3A_2, %mul3A_120 : i32
      %dma_start3A_122 = arith.constant 1 : i32
      %dma_start3A_123 = arith.constant 0 : i32
      %dma_start3A_124 = arith.constant 0 : i32
      %dma_start3A_125 = tpu.memref_slice %arg6[%dma_start3A_122, %dma_start3A_123, %dma_start3A_124] : memref<2x16x2048xf32, #tpu.memory_space<vmem>> -> memref<1x16x2048xf32, #tpu.memory_space<vmem>>
      %dma_start3A_126 = tpu.memref_squeeze %dma_start3A_125 : memref<1x16x2048xf32, #tpu.memory_space<vmem>> -> memref<16x2048xf32, #tpu.memory_space<vmem>>
      %dma_start3A_127 = arith.constant 0 : i32
      %dma_start3A_128 = tpu.memref_slice %arg4[%add3A_121, %dma_start3A_127] : memref<8192x2048xf32, #tpu.memory_space<hbm>> -> memref<16x2048xf32, #tpu.memory_space<hbm>>
      %dma_start3A_129 = arith.constant 0 : i32
      %dma_start3A_130 = tpu.memref_slice %arg4[%add3A_121, %dma_start3A_129] : memref<8192x2048xf32, #tpu.memory_space<hbm>> -> memref<16x2048xf32, #tpu.memory_space<hbm>>
      %dma_start3A_131 = arith.constant 0 : i32
      %dma_start3A_132 = arith.constant 0 : i32
      %dma_start3A_133 = tpu.memref_slice %arg6[%dma_start3A_122, %dma_start3A_131, %dma_start3A_132] : memref<2x16x2048xf32, #tpu.memory_space<vmem>> -> memref<1x16x2048xf32, #tpu.memory_space<vmem>>
      %dma_start3A_134 = tpu.memref_squeeze %dma_start3A_133 : memref<1x16x2048xf32, #tpu.memory_space<vmem>> -> memref<16x2048xf32, #tpu.memory_space<vmem>>
      tpu.enqueue_dma source(%dma_start3A_134 : memref<16x2048xf32, #tpu.memory_space<vmem>>) target(%dma_start3A_130 : memref<16x2048xf32, #tpu.memory_space<hbm>>) target_semaphore(%arg10 : memref<!tpu.dma_semaphore, #tpu.memory_space<semaphore_mem>>)
    }
    %scan3A_6 = arith.constant 8 : i32
    %add3A_7 = arith.constant 224 : i32
    %add3A_8 = arith.addi %mul3A_2, %add3A_7 : i32
    %dma_wait3A = arith.constant 0 : i32
    %dma_wait3A_9 = arith.constant 0 : i32
    %dma_wait3A_10 = arith.constant 0 : i32
    %dma_wait3A_11 = tpu.memref_slice %arg6[%dma_wait3A, %dma_wait3A_9, %dma_wait3A_10] : memref<2x16x2048xf32, #tpu.memory_space<vmem>> -> memref<1x16x2048xf32, #tpu.memory_space<vmem>>
    %dma_wait3A_12 = tpu.memref_squeeze %dma_wait3A_11 : memref<1x16x2048xf32, #tpu.memory_space<vmem>> -> memref<16x2048xf32, #tpu.memory_space<vmem>>
    %dma_wait3A_13 = arith.constant 0 : i32
    %dma_wait3A_14 = tpu.memref_slice %arg4[%add3A_8, %dma_wait3A_13] : memref<8192x2048xf32, #tpu.memory_space<hbm>> -> memref<16x2048xf32, #tpu.memory_space<hbm>>
    %dma_wait3A_15 = arith.constant 0 : i32
    %dma_wait3A_16 = tpu.memref_slice %arg4[%add3A_8, %dma_wait3A_15] : memref<8192x2048xf32, #tpu.memory_space<hbm>> -> memref<16x2048xf32, #tpu.memory_space<hbm>>
    %dma_wait3A_17 = arith.constant 0 : i32
    %dma_wait3A_18 = arith.constant 0 : i32
    %dma_wait3A_19 = tpu.memref_slice %arg6[%dma_wait3A, %dma_wait3A_17, %dma_wait3A_18] : memref<2x16x2048xf32, #tpu.memory_space<vmem>> -> memref<1x16x2048xf32, #tpu.memory_space<vmem>>
    %dma_wait3A_20 = tpu.memref_squeeze %dma_wait3A_19 : memref<1x16x2048xf32, #tpu.memory_space<vmem>> -> memref<16x2048xf32, #tpu.memory_space<vmem>>
    tpu.wait_dma2 semaphore(%arg9 : memref<!tpu.dma_semaphore, #tpu.memory_space<semaphore_mem>>) src(%dma_wait3A_20 : memref<16x2048xf32, #tpu.memory_space<vmem>>) dst(%dma_wait3A_16 : memref<16x2048xf32, #tpu.memory_space<hbm>>)
    %add3A_21 = arith.constant 240 : i32
    %add3A_22 = arith.addi %mul3A_2, %add3A_21 : i32
    %dma_wait3A_23 = arith.constant 1 : i32
    %dma_wait3A_24 = arith.constant 0 : i32
    %dma_wait3A_25 = arith.constant 0 : i32
    %dma_wait3A_26 = tpu.memref_slice %arg6[%dma_wait3A_23, %dma_wait3A_24, %dma_wait3A_25] : memref<2x16x2048xf32, #tpu.memory_space<vmem>> -> memref<1x16x2048xf32, #tpu.memory_space<vmem>>
    %dma_wait3A_27 = tpu.memref_squeeze %dma_wait3A_26 : memref<1x16x2048xf32, #tpu.memory_space<vmem>> -> memref<16x2048xf32, #tpu.memory_space<vmem>>
    %dma_wait3A_28 = arith.constant 0 : i32
    %dma_wait3A_29 = tpu.memref_slice %arg4[%add3A_22, %dma_wait3A_28] : memref<8192x2048xf32, #tpu.memory_space<hbm>> -> memref<16x2048xf32, #tpu.memory_space<hbm>>
    %dma_wait3A_30 = arith.constant 0 : i32
    %dma_wait3A_31 = tpu.memref_slice %arg4[%add3A_22, %dma_wait3A_30] : memref<8192x2048xf32, #tpu.memory_space<hbm>> -> memref<16x2048xf32, #tpu.memory_space<hbm>>
    %dma_wait3A_32 = arith.constant 0 : i32
    %dma_wait3A_33 = arith.constant 0 : i32
    %dma_wait3A_34 = tpu.memref_slice %arg6[%dma_wait3A_23, %dma_wait3A_32, %dma_wait3A_33] : memref<2x16x2048xf32, #tpu.memory_space<vmem>> -> memref<1x16x2048xf32, #tpu.memory_space<vmem>>
    %dma_wait3A_35 = tpu.memref_squeeze %dma_wait3A_34 : memref<1x16x2048xf32, #tpu.memory_space<vmem>> -> memref<16x2048xf32, #tpu.memory_space<vmem>>
    tpu.wait_dma2 semaphore(%arg10 : memref<!tpu.dma_semaphore, #tpu.memory_space<semaphore_mem>>) src(%dma_wait3A_35 : memref<16x2048xf32, #tpu.memory_space<vmem>>) dst(%dma_wait3A_31 : memref<16x2048xf32, #tpu.memory_space<hbm>>)
    return
  }
}

module attributes {stable_mosaic.version = 14 : i64} {
  func.func @_mm_kernel(%arg0: i32, %arg1: memref<48xi32, #tpu.memory_space<smem>>, %arg2: memref<1xi32, #tpu.memory_space<smem>>, %arg3: memref<256x2048xf32, #tpu.memory_space<vmem>>, %arg4: memref<1x2048x2048xf32, #tpu.memory_space<vmem>>, %arg5: memref<1x2048x1024xf32, #tpu.memory_space<vmem>>, %arg6: memref<12288x1xf32, #tpu.memory_space<vmem>>, %arg7: memref<256x2048xf32, #tpu.memory_space<vmem>>) attributes {dimension_semantics = [#tpu.dimension_semantics<arbitrary>], iteration_bounds = array<i64: 48>, scalar_prefetch = 2 : i64, scratch_operands = 0 : i64, tpu.core_type = #tpu.core_type<tc>, window_params = [{transform_indices = @transform_0, window_bounds = array<i64: 256, 2048>}, {transform_indices = @transform_1, window_bounds = array<i64: 1, 2048, 2048>}, {transform_indices = @transform_2, window_bounds = array<i64: 1, 2048, 1024>}, {pipeline_mode = #tpu.pipeline_mode<synchronous>, transform_indices = @transform_3, window_bounds = array<i64: 12288, 1>}, {transform_indices = @transform_4, window_bounds = array<i64: 256, 2048>}]} {
    %get3A = arith.constant 0 : index
    %get3A_0 = memref.load %arg2[%get3A] : memref<1xi32, #tpu.memory_space<smem>>
    %lt3A = arith.cmpi slt, %arg0, %get3A_0 : i32
    %convert_element_type3A = arith.extui %lt3A : i1 to i32
    %cond3A = arith.constant 0 : i32
    %cond3A_1 = arith.cmpi ne, %convert_element_type3A, %cond3A : i32
    scf.if %cond3A_1 {
      %get3A_2 = arith.constant 0 : index
      %get3A_3 = arith.constant 0 : index
      %get3A_4 = vector.load %arg3[%get3A_2, %get3A_3] : memref<256x2048xf32, #tpu.memory_space<vmem>>, vector<256x2048xf32>
      %get3A_5 = arith.constant 0 : index
      %get3A_6 = arith.constant 0 : index
      %get3A_7 = arith.constant 0 : index
      %get3A_8 = vector.load %arg4[%get3A_5, %get3A_6, %get3A_7] : memref<1x2048x2048xf32, #tpu.memory_space<vmem>>, vector<1x2048x2048xf32>
      %get3A_9 = vector.shape_cast %get3A_8 : vector<1x2048x2048xf32> to vector<2048x2048xf32>
      %dot_general3A = arith.constant dense<0.000000e+00> : vector<256x2048xf32>
      %dot_general3A_10 = tpu.matmul %get3A_4, %get3A_9, %dot_general3A {dimension_numbers = #tpu.dot_dimension_numbers<[1], [1], [0], [0], [0, 0, 1, 0], [], []>, transpose_lhs_hint = false} : vector<256x2048xf32>, vector<2048x2048xf32>, vector<256x2048xf32> -> vector<256x2048xf32>
      %slice3A = vector.extract_strided_slice %dot_general3A_10 {offsets = [0, 0], sizes = [256, 1024], strides = [1, 1]} : vector<256x2048xf32> to vector<256x1024xf32>
      %slice3A_11 = vector.extract_strided_slice %dot_general3A_10 {offsets = [0, 1024], sizes = [256, 1024], strides = [1, 1]} : vector<256x2048xf32> to vector<256x1024xf32>
      %logistic3A = arith.negf %slice3A_11 : vector<256x1024xf32>
      %logistic3A_12 = math.exp %logistic3A : vector<256x1024xf32>
      %logistic3A_13 = arith.constant 1.000000e+00 : f32
      %logistic3A_14 = vector.broadcast %logistic3A_13 : f32 to vector<256x1024xf32>
      %logistic3A_15 = arith.addf %logistic3A_14, %logistic3A_12 : vector<256x1024xf32>
      %logistic3A_16 = arith.divf %logistic3A_14, %logistic3A_15 : vector<256x1024xf32>
      %mul3A = arith.mulf %slice3A_11, %logistic3A_16 : vector<256x1024xf32>
      %mul3A_17 = arith.mulf %slice3A, %mul3A : vector<256x1024xf32>
      %get3A_18 = arith.constant 0 : index
      %get3A_19 = arith.constant 0 : index
      %get3A_20 = arith.constant 0 : index
      %get3A_21 = vector.load %arg5[%get3A_18, %get3A_19, %get3A_20] : memref<1x2048x1024xf32, #tpu.memory_space<vmem>>, vector<1x2048x1024xf32>
      %get3A_22 = vector.shape_cast %get3A_21 : vector<1x2048x1024xf32> to vector<2048x1024xf32>
      %dot_general3A_23 = arith.constant dense<0.000000e+00> : vector<256x2048xf32>
      %dot_general3A_24 = tpu.matmul %mul3A_17, %get3A_22, %dot_general3A_23 {dimension_numbers = #tpu.dot_dimension_numbers<[1], [1], [0], [0], [0, 0, 1, 0], [], []>, transpose_lhs_hint = false} : vector<256x1024xf32>, vector<2048x1024xf32>, vector<256x2048xf32> -> vector<256x2048xf32>
      %get3A_25 = arith.constant 0 : index
      %get3A_26 = memref.load %arg2[%get3A_25] : memref<1xi32, #tpu.memory_space<smem>>
      %sub3A = arith.constant 1 : i32
      %sub3A_27 = arith.subi %get3A_26, %sub3A : i32
      %min3A = arith.minsi %arg0, %sub3A_27 : i32
      %mul3A_28 = arith.constant 256 : i32
      %mul3A_29 = arith.muli %min3A, %mul3A_28 : i32
      %get3A_30 = arith.index_cast %mul3A_29 : i32 to index
      %get3A_31 = arith.constant 0 : index
      %get3A_32 = vector.load %arg6[%get3A_30, %get3A_31] : memref<12288x1xf32, #tpu.memory_space<vmem>>, vector<256x1xf32>
      %mul3A_33 = vector.broadcast %get3A_32 : vector<256x1xf32> to vector<256x2048xf32>
      %mul3A_34 = arith.mulf %dot_general3A_24, %mul3A_33 : vector<256x2048xf32>
      %swap3A = arith.constant 0 : index
      %swap3A_35 = arith.constant 0 : index
      %swap3A_36 = vector.load %arg7[%swap3A, %swap3A_35] : memref<256x2048xf32, #tpu.memory_space<vmem>>, vector<256x2048xf32>
      tpu.vector_store %arg7[%swap3A, %swap3A_35], %mul3A_34 {strides = array<i32>} : memref<256x2048xf32, #tpu.memory_space<vmem>>, vector<256x2048xf32>,
    } else {
    }
    return
  }
  func.func @transform_0(%arg0: i32, %arg1: memref<48xi32, #tpu.memory_space<smem>>, %arg2: memref<1xi32, #tpu.memory_space<smem>>) -> (i32, i32) {
    %get3A = arith.constant 0 : index
    %get3A_0 = memref.load %arg2[%get3A] : memref<1xi32, #tpu.memory_space<smem>>
    %sub3A = arith.constant 1 : i32
    %sub3A_1 = arith.subi %get3A_0, %sub3A : i32
    %min3A = arith.minsi %arg0, %sub3A_1 : i32
    %c0_i32 = arith.constant 0 : i32
    %c0_i32_2 = arith.constant 0 : i32
    return %min3A, %c0_i32 : i32, i32
  }
  func.func @transform_1(%arg0: i32, %arg1: memref<48xi32, #tpu.memory_space<smem>>, %arg2: memref<1xi32, #tpu.memory_space<smem>>) -> (i32, i32, i32) {
    %get3A = arith.constant 0 : index
    %get3A_0 = memref.load %arg2[%get3A] : memref<1xi32, #tpu.memory_space<smem>>
    %sub3A = arith.constant 1 : i32
    %sub3A_1 = arith.subi %get3A_0, %sub3A : i32
    %min3A = arith.minsi %arg0, %sub3A_1 : i32
    %get3A_2 = arith.index_cast %min3A : i32 to index
    %get3A_3 = memref.load %arg1[%get3A_2] : memref<48xi32, #tpu.memory_space<smem>>
    %c0_i32 = arith.constant 0 : i32
    %c0_i32_4 = arith.constant 0 : i32
    %c0_i32_5 = arith.constant 0 : i32
    return %get3A_3, %c0_i32, %c0_i32_4 : i32, i32, i32
  }
  func.func @transform_2(%arg0: i32, %arg1: memref<48xi32, #tpu.memory_space<smem>>, %arg2: memref<1xi32, #tpu.memory_space<smem>>) -> (i32, i32, i32) {
    %get3A = arith.constant 0 : index
    %get3A_0 = memref.load %arg2[%get3A] : memref<1xi32, #tpu.memory_space<smem>>
    %sub3A = arith.constant 1 : i32
    %sub3A_1 = arith.subi %get3A_0, %sub3A : i32
    %min3A = arith.minsi %arg0, %sub3A_1 : i32
    %get3A_2 = arith.index_cast %min3A : i32 to index
    %get3A_3 = memref.load %arg1[%get3A_2] : memref<48xi32, #tpu.memory_space<smem>>
    %c0_i32 = arith.constant 0 : i32
    %c0_i32_4 = arith.constant 0 : i32
    %c0_i32_5 = arith.constant 0 : i32
    return %get3A_3, %c0_i32, %c0_i32_4 : i32, i32, i32
  }
  func.func @transform_3(%arg0: i32, %arg1: memref<48xi32, #tpu.memory_space<smem>>, %arg2: memref<1xi32, #tpu.memory_space<smem>>) -> (i32, i32) {
    %c0_i32 = arith.constant 0 : i32
    %c0_i32_0 = arith.constant 0 : i32
    %c0_i32_1 = arith.constant 0 : i32
    return %c0_i32, %c0_i32_0 : i32, i32
  }
  func.func @transform_4(%arg0: i32, %arg1: memref<48xi32, #tpu.memory_space<smem>>, %arg2: memref<1xi32, #tpu.memory_space<smem>>) -> (i32, i32) {
    %get3A = arith.constant 0 : index
    %get3A_0 = memref.load %arg2[%get3A] : memref<1xi32, #tpu.memory_space<smem>>
    %sub3A = arith.constant 1 : i32
    %sub3A_1 = arith.subi %get3A_0, %sub3A : i32
    %min3A = arith.minsi %arg0, %sub3A_1 : i32
    %c0_i32 = arith.constant 0 : i32
    %c0_i32_2 = arith.constant 0 : i32
    return %min3A, %c0_i32 : i32, i32
  }
}

</mosaic_0001>

<sc_bundles>
// kernel: kernel.5.cloned.1.call-start
scs
__scs_entry_jumppad:
0x0: {  	(pc) =	sbr.rel $0x88, $3  }
0x1: {  	(tag) =	ssettag $0x0;
	lr =	simm.s32 $0x1  }
0x2: {  	[smem:$0x3F9C] =	sst lr;
	_ =	strace $0xD0000000  }
0x3: {  	_ = 	snop  }
0x4: {  	_ = 	snop  }
0x5: {  	_ = 	snop  }
0x6: {  	_ = 	snop  }
0x7: {  	_ = 	snop  }
__scs_overlays_trampoline_lowered:
0x8: {  	[smem:$0x3FAB] =	sst s0  }
0x9: {  	[smem:$0x3FAC] =	sst s1  }
0xa: {  	[smem:$0x3FAD] =	sst s2  }
0xb: {  	[smem:$0x3FAE] =	sst s3  }
0xc: {  	[smem:$0x3FAF] =	sst s4  }
0xd: {  	[smem:$0x3FB0] =	sst s5  }
0xe: {  	[smem:$0x3FB1] =	sst s6  }
0xf: {  	[smem:$0x3FB2] =	sst s7  }
0x10: {  	[smem:$0x3FB3] =	sst s8  }
0x11: {  	[smem:$0x3FB4] =	sst s9;
	s0 =	simm.s32 @!p0 $0x0  }
0x12: {  	s1 =	sld [smem:$0x3F9A];
	s0 =	simm.s32 @p0 $0x1  }
0x13: {  	[smem:$0x3FB5] =	sst s0;
	s0 =	simm.s32 @!p1 $0x0  }
0x14: {  	s2 =	sld [smem:$0x3F99];
	s0 =	simm.s32 @p1 $0x1  }
0x15: {  	[smem:$0x3FB6] =	sst s0;
	s0 =	simm.s32 @!p2 $0x0  }
0x16: {  	s3 =	sld [smem:$0x3FDB];
	s0 =	simm.s32 @p2 $0x1  }
0x17: {  	s4 =	simm.s32 $0x1BF5;
	[smem:$0x3FB8] =	sst s0  }
0x18: {  	s0 =	sld [smem:$0x3F9B];
	_ =	swait.ge [sflag:s4], $0x0  }
0x19: {  	s7 =	sld [smem:$0x3F9C]  }
0x1a: {  	s8 =	sadd.s32 $0xFFFFE003, lr  }
0x1b: {  	s9 =	sadd.s32 $0xFFFFFEF7, lr;
	s5 =	simm.s32 $0xFFFFFFFF;
	p2 =	slt.u32 s8, $0xFFFFF086  }
0x1c: {  	p1 =	slt.u32 s9, $0xF7A;
	s5 =	simm.s32 @!p2 $0x0  }
0x1d: {  	s5 =	simm.s32 @p1 $0x1;
	p0 =	seq.s32 s7, s2  }
0x1e: {  	s7 =	smul.u32 @!p0 $0xF7A, s2;
	p2 =	seq.s32 @!p0 s5, $0x0  }
0x1f: {  	s9 =	smul.u32 $0xF7A, s1;
	s8 =	simm.s32 @!p0 $0x1BF5;
	p2 =	por !p2, p0  }
0x20: {  	[sflag:s8] =	ssyncset.s32 @!p0 $0xFFFFF086;
	s6 =	sadd.s32 @!p0 s3, s7;
	s7 =	simm.s32 @!p0 $0x108  }
0x21: {  	s3 =	sadd.s32 s3, s9;
	s6 =	sadd.s32 @!p0 $0x88, s6;
	s7 =	simm.s32 @p2 $0x1082  }
0x22: {  	[simem:s7], [sflag:s8] =	dma.local @!p0 [hbm:s6], $0xF7A  }
0x23: {  	s9 =	sor.u32 $0xD0000000, s2;
	s6 =	simm.s32 $0x108;
	_ =	swait.ge @!p0 [sflag:s8], $0x0  }
0x24: {  	s3 =	sadd.s32 $0x88, s3;
	s6 =	simm.s32 @!p1 $0x1082;
	[sflag:s4] =	ssyncset.s32 $0xFFFFF086  }
0x25: {  	[simem:s6], [sflag:s4] =	dma.local [hbm:s3], $0xF7A  }
0x26: {  	[smem:$0x3F9C] =	sst s1;
	(tag) =	ssettag s2;
	_ =	strace s9  }
0x27: {  	s1 =	sld [smem:$0x3FAC]  }
0x28: {  	s2 =	sld [smem:$0x3FAD]  }
0x29: {  	s4 =	sld [smem:$0x3FAF]  }
0x2a: {  	p0 =	seq.s32 s5, $0x0;
	s5 =	sld [smem:$0x3FB0]  }
0x2b: {  	s6 =	sld [smem:$0x3FB1]  }
0x2c: {  	s7 =	sld [smem:$0x3FB2]  }
0x2d: {  	s3 =	simm.s32 $0x108;
	s8 =	sld [smem:$0x3FB3]  }
0x2e: {  	s3 =	simm.s32 @!p0 $0x1082;
	s9 =	sld [smem:$0x3FB4]  }
0x2f: {  	lr =	sadd.s32 s0, s3;
	s0 =	sld [smem:$0x3FAB]  }
0x30: {  	s3 =	sld [smem:$0x3FAE]  }
0x31: {  	[smem:$0x3FB7] =	sst s10  }
0x32: {  	s10 =	sld [smem:$0x3FB5];
	_ =	sdelay $0x3  }
0x33: {  	p0 =	seq.s32 s10, $0x1;
	s10 =	sld [smem:$0x3FB7];
	_ =	sdelay $0x3  }
0x34: {  	[smem:$0x3FB7] =	sst s10  }
0x35: {  	s10 =	sld [smem:$0x3FB6];
	_ =	sdelay $0x3  }
0x36: {  	p1 =	seq.s32 s10, $0x1;
	s10 =	sld [smem:$0x3FB7];
	_ =	sdelay $0x3  }
0x37: {  	[smem:$0x3FB7] =	sst s10  }
0x38: {  	s10 =	sld [smem:$0x3FB8]  }
0x39: {  	_ = 	snop;
	(pc) =	sbr.ind lr, $3  }
0x3a: {  	_ = 	snop  }
0x3b: {  	_ = 	snop  }
0x3c: {  	p2 =	seq.s32 s10, $0x1;
	s10 =	sld [smem:$0x3FB7]  }
0x3d: {  	_ =	shalt  }
0x3e: {  	_ =	shalt  }
0x3f: {  	_ =	shalt  }
0x40: {  	_ =	shalt  }
0x41: {  	_ =	shalt  }
0x42: {  	_ =	shalt  }
0x43: {  	_ =	shalt  }
0x44: {  	_ =	shalt  }
0x45: {  	_ =	shalt  }
0x46: {  	_ =	shalt  }
0x47: {  	_ =	shalt  }
0x48: {  	_ =	shalt  }
0x49: {  	_ =	shalt  }
0x4a: {  	_ =	shalt  }
0x4b: {  	_ =	shalt  }
0x4c: {  	_ =	shalt  }
0x4d: {  	_ =	shalt  }
0x4e: {  	_ =	shalt  }
0x4f: {  	_ =	shalt  }
0x50: {  	_ =	shalt  }
0x51: {  	_ =	shalt  }
0x52: {  	_ =	shalt  }
0x53: {  	_ =	shalt  }
0x54: {  	_ =	shalt  }
0x55: {  	_ =	shalt  }
0x56: {  	_ =	shalt  }
0x57: {  	_ =	shalt  }
0x58: {  	_ =	shalt  }
0x59: {  	_ =	shalt  }
0x5a: {  	_ =	shalt  }
0x5b: {  	_ =	shalt  }
0x5c: {  	_ =	shalt  }
0x5d: {  	_ =	shalt  }
0x5e: {  	_ =	shalt  }
0x5f: {  	_ =	shalt  }
0x60: {  	_ =	shalt  }
0x61: {  	_ =	shalt  }
0x62: {  	_ =	shalt  }
0x63: {  	_ =	shalt  }
0x64: {  	_ =	shalt  }
0x65: {  	_ =	shalt  }
0x66: {  	_ =	shalt  }
0x67: {  	_ =	shalt  }
0x68: {  	_ =	shalt  }
0x69: {  	_ =	shalt  }
0x6a: {  	_ =	shalt  }
0x6b: {  	_ =	shalt  }
0x6c: {  	_ =	shalt  }
0x6d: {  	_ =	shalt  }
0x6e: {  	_ =	shalt  }
0x6f: {  	_ =	shalt  }
0x70: {  	_ =	shalt  }
0x71: {  	_ =	shalt  }
0x72: {  	_ =	shalt  }
0x73: {  	_ =	shalt  }
0x74: {  	_ =	shalt  }
0x75: {  	_ =	shalt  }
0x76: {  	_ =	shalt  }
0x77: {  	_ =	shalt  }
0x78: {  	_ =	shalt  }
0x79: {  	_ =	shalt  }
0x7a: {  	_ =	shalt  }
0x7b: {  	_ =	shalt  }
0x7c: {  	_ =	shalt  }
0x7d: {  	_ =	shalt  }
0x7e: {  	_ =	shalt  }
0x7f: {  	_ =	shalt  }
0x80: {  	_ =	shalt  }
0x81: {  	_ =	shalt  }
0x82: {  	_ =	shalt  }
0x83: {  	_ =	shalt  }
0x84: {  	_ =	shalt  }
0x85: {  	_ =	shalt  }
0x86: {  	_ =	shalt  }
0x87: {  	_ =	shalt  }
.Lfunc_end0:
.L_simem_size_0:
called_computation_lowered:
.L_overlay_start_0:
0x88: {  	s2 =	sld [smem:$0x3FD9]  }
0x89: {  	s3 =	sld [smem:$0x3FFE];
	_ =	sdelay $0x1  }
0x8a: {  	s1 =	srdreg.scid  }
0x8b: {  	s0 =	sand.u32 $0x1, s1  }
0x8c: {  	s17 =	sshll.u32 s0, $0xA;
	s2 =	sadd.s32 s3, s2  }
0x8d: {  	s2 =	sadd.s32 s2, s17  }
0x8e: {  	[smem:$0x3FC3] =	sst s2  }
0x8f: {  	_ = 	snop  }
0x90: {  	s2 =	sld [smem:$0x3FC9];
	(tm) =	ssettm $0x1  }
0x91: {  	s18 =	sld [smem:$0x3FFB];
	_ =	sdelay $0x3  }
0x92: {  	_ =	strace s18  }
0x93: {  	s3 =	sld [smem:$0x3FFC];
	_ =	sdelay $0x3  }
0x94: {  	_ =	strace s3  }
0x95: {  	s3 =	sld [smem:$0x3FFD];
	_ =	sdelay $0x3  }
0x96: {  	_ =	strace s3  }
0x97: {  	_ =	strace $0x8FFFFFFF  }
0x98: {  	s19 =	sld [smem:$0x3FDB];
	_ =	sdelay $0x1  }
0x99: {  	s4 =	simm.s32 $_scs_section_size  }
0x9a: {  	s5 =	simm.s32 $_size__tile_overlayer_lowered;
	s6 =	simm.s32 $_tile_overlayer_lowered  }
0x9b: {  	s22 =	simm.s32 $0x1BFF;
	s21 =	sshll.u32 s6, $0x1;
	s3 =	sadd.s32 s4, s19  }
0x9c: {  	s7 =	simm.s32 $0x0;
	s20 =	sshll.u32 s5, $0x1;
	s5 =	sadd.s32 s21, s3  }
0x9d: {  	[timem:s7], [sflag:s22] =	dma.local [hbm:s5], s20  }
0x9e: {  	_ =	swait.ge [sflag:s22], s20  }
0x9f: {  	s4 =	ssub.s32 $0x0, s20;
	[sflag:s22] =	ssyncset.done $0x0  }
0xa0: {  	[sflag:s22] =	ssyncadd.s32 s4;
	_ =	sdelay $0x1  }
0xa1: {  	s23 =	simm.s32 $0x1B8B  }
0xa2: {  	_ =	swait.ge [sflag:s23], $0x1  }
0xa3: {  	[sflag:s23] =	ssyncset.done $0x0  }
0xa4: {  	s25 =	simm.s32 $0x1B8E;
	s24 =	sld [smem:$0x3FFE];
	[sflag:s23] =	ssyncadd.s32 $0xFFFFFFFF  }
0xa5: {  	s26 =	simm.s32 $execute0_lowered;
	[smem:$0x3FD2] =	sst s25  }
0xa6: {  	s5 =	sshll.u32 s26, $0x1;
	_ =	strace $0x80000046;
	[dreg:$0x1] =	wrdreg $0xFFFFFFFF  }
0xa7: {  	s28 =	simm.s32 $_size_execute0_lowered;
	s3 =	sadd.s32 s3, s5;
	[dreg:$0x0] =	wrdreg $0x0  }
0xa8: {  	s5 =	sshll.u32 s28, $0x1;
	[dreg:$0x2] =	wrdreg s3  }
0xa9: {  	[dreg:$0x3] =	wrdreg s5  }
0xaa: {  	[dreg:$0x4] =	wrdreg $0xC0  }
0xab: {  	_ =	task [dreg:s7], $0x5FFFF  }
0xac: {  	[dreg:$0x1] =	wrdreg $0xFFFFFFFF  }
0xad: {  	[dreg:$0x0] =	wrdreg $0x60  }
0xae: {  	[dreg:$0x2] =	wrdreg s2  }
0xaf: {  	[dreg:$0x3] =	wrdreg s24  }
0xb0: {  	[dreg:$0x4] =	wrdreg $0x9  }
0xb1: {  	_ =	task.clear_ibuf [dreg:s7], $0x5FFFF;
	_ =	strace $0x90000046  }
0xb2: {  	s29 =	simm.s32 $0x9;
	_ =	strace $0x80000048  }
0xb3: {  	_ =	swait.ge [sflag:s29], $0x1  }
0xb4: {  	[sflag:s29] =	ssyncadd.s32 $0xFFFFFFFF  }
0xb5: {  	_ =	strace $0x90000048  }
0xb6: {  	_ =	sfence  }
0xb7: {  	s30 =	sld [smem:$0x0];
	_ =	sdelay $0x2  }
0xb8: {  	s31 =	sshll.u32 s1, $0xD;
	s1 =	sshrl.u32 s1, $0x2  }
0xb9: {  	s3 =	sand.u32 $0x4000, s31;
	s1 =	sadd.s32 s1, s30  }
0xba: {  	s0 =	sor.u32 s3, s0;
	s1 =	sshll.u32 s1, $0x11  }
0xbb: {  	s0 =	sor.u32 s1, s0  }
0xbc: {  	s0 =	sadd.s32 $0x8F2B, s0  }
0xbd: {  	[sflag:s0] =	ssyncadd.remote.s32 $0x1  }
0xbe: {  	_ =	sfence.sel $0xFFFF  }
0xbf: {  	[dreg:$0x0] =	wrdreg $0xFFFFFFFF;
	(pc) =	sbr.abs _section_cstart, $3  }
0xc0: {  	[dreg:$0x1] =	wrdreg $0xFFFFFFFF  }
0xc1: {  	_ =	task.clear_ibuf [dreg:s7], $0x2FFFF;
	_ =	strace $0x9FFFFFFF  }
0xc2: {  	(tm) =	ssettm $0x7FFFFFFF  }
0xc3: {  	_ =	shalt  }
tec
execute0_lowered:
.L_overlay_start_1:
0x0: {  	(tag) =	ssettag $0x1  }
0x1: {  	s2 =	rddreg [dreg:$0x0]  }
0x2: {  	s4 =	rddreg [dreg:$0x1];
	s3 =	simm.s32 $0x0  }
0x3: {  	s9 =	simm.s32 $0x980;
	[smem:$0x7FF] =	sst s3  }
0x4: {  	s10 =	simm.s32 $0x1180;
	_ =	strace $0x80000047;
	[dreg:$0x4] =	wrdreg s9  }
0x5: {  	s11 =	simm.s32 $0x1980;
	[dreg:$0x5] =	wrdreg s10  }
0x6: {  	s12 =	simm.s32 $0x2180;
	[dreg:$0x6] =	wrdreg s11  }
0x7: {  	s13 =	simm.s32 $0x2980;
	[dreg:$0x7] =	wrdreg s12  }
0x8: {  	s14 =	simm.s32 $0x3180;
	[dreg:$0x8] =	wrdreg s13  }
0x9: {  	s16 =	simm.s32 $0x3980;
	[dreg:$0x9] =	wrdreg s14  }
0xa: {  	s0 =	srdreg.scid;
	s17 =	simm.s32 $0x4180;
	[dreg:$0xa] =	wrdreg s16  }
0xb: {  	s6 =	stileid.u32;
	s18 =	simm.s32 $0x4980;
	[dreg:$0xb] =	wrdreg s17  }
0xc: {  	s19 =	simm.s32 $0x5180;
	s20 =	simm.s32 $0x5980;
	[dreg:$0xc] =	wrdreg s18  }
0xd: {  	s21 =	simm.s32 $0x6180;
	s22 =	simm.s32 $0x6980;
	[dreg:$0xd] =	wrdreg s19  }
0xe: {  	s23 =	simm.s32 $0x7180;
	s24 =	simm.s32 $0x7980;
	[dreg:$0xe] =	wrdreg s20  }
0xf: {  	s25 =	simm.s32 $0x8980;
	s26 =	simm.s32 $0x9180;
	[dreg:$0xf] =	wrdreg s21  }
0x10: {  	s30 =	simm.s32 $0x9980;
	s31 =	simm.s32 $0xA180;
	[dreg:$0x10] =	wrdreg s22  }
0x11: {  	s28 =	simm.s32 $0x1;
	s29 =	simm.s32 $0x2;
	[dreg:$0x11] =	wrdreg s23  }
0x12: {  	s0 =	sand.u32 $0x1, s0;
	s1 =	smul.u32 $0x30000, s6;
	[dreg:$0x12] =	wrdreg s24  }
0x13: {  	s8 =	sshll.u32 s6, $0x1;
	s6 =	sadd.s32 $0x200, s2;
	[dreg:$0x13] =	wrdreg s25  }
0x14: {  	s7 =	sadd.s32 $0x300, s2;
	s5 =	smul.u32 $0x18000, s0;
	[dreg:$0x14] =	wrdreg s26  }
0x15: {  	s9 =	sadd.s32 $0x500, s2;
	s10 =	sadd.s32 $0x600, s2;
	[dreg:$0x15] =	wrdreg s30  }
0x16: {  	s11 =	sadd.s32 $0x700, s2;
	s14 =	simm.s32 $0x180;
	[dreg:$0x16] =	wrdreg s31  }
0x17: {  	s16 =	simm.s32 $0xA980;
	s17 =	simm.s32 $0xB180;
	s18 =	simm.s32 $0xB980  }
0x18: {  	s19 =	simm.s32 $0xC180;
	s20 =	simm.s32 $0xC980;
	s21 =	simm.s32 $0xD180  }
0x19: {  	s22 =	simm.s32 $0xD980;
	s23 =	simm.s32 $0xE180;
	s1 =	sadd.s32 s1, s4  }
0x1a: {  	s24 =	simm.s32 $0xE980;
	s1 =	sadd.s32 s5, s1;
	s5 =	sor.u32 s0, s8  }
0x1b: {  	s25 =	simm.s32 $0xF180;
	s0 =	ssub.s32 $0x2, s0;
	s5 =	smul.u32 $0x180, s5  }
0x1c: {  	s26 =	simm.s32 $0xF980;
	s8 =	sadd.s32 $0x400, s2;
	s15 =	sshrl.u32 s0, $0x1  }
0x1d: {  	s1 =	sadd.s32 $0x2000, s1;
	s0 =	ssub.s32 s0, s15;
	s5 =	sshrl.u32 s5, $0x3  }
0x1e: {  	v2 =	vlaneseq.u32;
	[dreg:$0x3] =	wrdreg s1;
	s0 =	smax.u32 s0, $0x1;
	s4 =	sadd.s32 s5, s4  }
0x1f: {  	vm0 =	vmmov $0xffff;
	v1 =	vshrl.u32 v2, $0x3;
	s15 =	simm.s32 $0x8180;
	[dreg:$0x18] =	wrdreg s0;
	s4 =	sadd.s32 $0x800, s4  }
0x20: {  	v0 =	vand.u32 $0x7, v2;
	v2 =	vor.u32 $0x8, v2;
	v1 =	vmul.u32 $0x8, v1;
	s1 =	simm.s32 $0x0;
	s5 =	sadd.s32 $0x100, s2;
	[dreg:$0x17] =	wrdreg s4  }
.LBB2_1:
0x21: {  	s0 =	rddreg [dreg:$0x17];
	s12 =	simm.s32 $0x5  }
0x22: {  	[tilespmem:s3], [sflag:$0x5] =	stream.linear.gather [hbm4b:s0+s3], $0x180, $0x38;
	[tilespmem:$0x10180] =	vst v63  }
0x23: {  	_ =	swait.ge [sflag:s12], $0x180  }
0x24: {  	p0 =	por $0x1, $0x1;
	[sflag:s12] =	ssyncset.done $0x0  }
0x25: {  	s0 =	simm.s32 @!p0 $0x3;
	[sflag:s12] =	ssyncadd.s32 $0xFFFFFE80  }
0x26: {  	_ =	swait.ge @!p0 [sflag:s0], $0x8000  }
0x27: {  	[sflag:s0] =	ssyncset.done @!p0 $0x0  }
0x28: {  	s4 =	simm.s32 $0x10;
	[sflag:s0] =	ssyncadd.s32 @!p0 $0xFFFF8000  }
0x29: {  	v3 =	vld [tilespmem:s4+$0xFFFFFFF0];
	_ =	sdelay $0x4  }
0x2a: {  	v4 =	vshll.u32 v3, $0x4  }
0x2b: {  	v3 =	vand.u32 $0x7, v3;
	v4 =	vand.u32 $0xFFFFFF80, v4  }
0x2c: {  	v3 =	vor.u32 v3, v4  }
0x2d: {  	v4 =	vperm.xlane v3, v0;
	_ =	sdelay $0x1  }
0x2e: {  	v4 =	vadd.s32 v1, v4;
	_ =	sdelay $0x4  }
0x2f: {  	[tilespmem:s14], [sflag:$0x1] =	stream.indirect_vreg.gather [hbm4b:s2+s3], $0x80, v4, vm0, $0xb8;
	[tilespmem:$0x10180] =	vst v63  }
0x30: {  	s13 =	rddreg [dreg:$0x4]  }
0x31: {  	[tilespmem:s13], [sflag:$0x1] =	stream.indirect_vreg.gather [hbm4b:s5+s3], $0x80, v4, vm0, $0xb8;
	[tilespmem:$0x10180] =	vst v63  }
0x32: {  	s12 =	rddreg [dreg:$0x5]  }
0x33: {  	[tilespmem:s12], [sflag:$0x1] =	stream.indirect_vreg.gather [hbm4b:s6+s3], $0x80, v4, vm0, $0xb8;
	[tilespmem:$0x10180] =	vst v63  }
0x34: {  	s31 =	rddreg [dreg:$0x6]  }
0x35: {  	[tilespmem:s31], [sflag:$0x1] =	stream.indirect_vreg.gather [hbm4b:s7+s3], $0x80, v4, vm0, $0xb8;
	[tilespmem:$0x10180] =	vst v63  }
0x36: {  	s13 =	rddreg [dreg:$0x7]  }
0x37: {  	[tilespmem:s13], [sflag:$0x1] =	stream.indirect_vreg.gather [hbm4b:s8+s3], $0x80, v4, vm0, $0xb8;
	[tilespmem:$0x10180] =	vst v63  }
0x38: {  	v3 =	vperm.xlane v3, v2;
	s31 =	rddreg [dreg:$0x8]  }
0x39: {  	[tilespmem:s31], [sflag:$0x1] =	stream.indirect_vreg.gather [hbm4b:s9+s3], $0x80, v4, vm0, $0xb8;
	[tilespmem:$0x10180] =	vst v63  }
0x3a: {  	v3 =	vadd.s32 v1, v3;
	s13 =	rddreg [dreg:$0x9]  }
0x3b: {  	[tilespmem:s13], [sflag:$0x1] =	stream.indirect_vreg.gather [hbm4b:s10+s3], $0x80, v4, vm0, $0xb8;
	[tilespmem:$0x10180] =	vst v63  }
0x3c: {  	s31 =	rddreg [dreg:$0xa]  }
0x3d: {  	[tilespmem:s31], [sflag:$0x1] =	stream.indirect_vreg.gather [hbm4b:s11+s3], $0x80, v4, vm0, $0xb8;
	[tilespmem:$0x10180] =	vst v63  }
0x3e: {  	s13 =	rddreg [dreg:$0xb]  }
0x3f: {  	[tilespmem:s13], [sflag:$0x1] =	stream.indirect_vreg.gather [hbm4b:s2+s3], $0x80, v3, vm0, $0xb8;
	[tilespmem:$0x10180] =	vst v63  }
0x40: {  	s31 =	rddreg [dreg:$0xc]  }
0x41: {  	[tilespmem:s31], [sflag:$0x1] =	stream.indirect_vreg.gather [hbm4b:s5+s3], $0x80, v3, vm0, $0xb8;
	[tilespmem:$0x10180] =	vst v63  }
0x42: {  	s13 =	rddreg [dreg:$0xd]  }
0x43: {  	[tilespmem:s13], [sflag:$0x1] =	stream.indirect_vreg.gather [hbm4b:s6+s3], $0x80, v3, vm0, $0xb8;
	[tilespmem:$0x10180] =	vst v63  }
0x44: {  	s31 =	rddreg [dreg:$0xe]  }
0x45: {  	[tilespmem:s31], [sflag:$0x1] =	stream.indirect_vreg.gather [hbm4b:s7+s3], $0x80, v3, vm0, $0xb8;
	[tilespmem:$0x10180] =	vst v63  }
0x46: {  	s13 =	rddreg [dreg:$0xf]  }
0x47: {  	[tilespmem:s13], [sflag:$0x1] =	stream.indirect_vreg.gather [hbm4b:s8+s3], $0x80, v3, vm0, $0xb8;
	[tilespmem:$0x10180] =	vst v63  }
0x48: {  	s31 =	rddreg [dreg:$0x10]  }
0x49: {  	[tilespmem:s31], [sflag:$0x1] =	stream.indirect_vreg.gather [hbm4b:s9+s3], $0x80, v3, vm0, $0xb8;
	[tilespmem:$0x10180] =	vst v63  }
0x4a: {  	s13 =	rddreg [dreg:$0x11]  }
0x4b: {  	[tilespmem:s13], [sflag:$0x1] =	stream.indirect_vreg.gather [hbm4b:s10+s3], $0x80, v3, vm0, $0xb8;
	[tilespmem:$0x10180] =	vst v63  }
0x4c: {  	s12 =	simm.s32 @!p0 $0x4;
	s31 =	rddreg [dreg:$0x12]  }
0x4d: {  	[tilespmem:s31], [sflag:$0x1] =	stream.indirect_vreg.gather [hbm4b:s11+s3], $0x80, v3, vm0, $0xb8;
	[tilespmem:$0x10180] =	vst v63  }
0x4e: {  	_ =	swait.ge @!p0 [sflag:s12], $0x8000  }
0x4f: {  	[sflag:s12] =	ssyncset.done @!p0 $0x0  }
0x50: {  	[sflag:s12] =	ssyncadd.s32 @!p0 $0xFFFF8000  }
0x51: {  	v3 =	vld [tilespmem:s4+$0x0];
	_ =	sdelay $0x4  }
0x52: {  	v63 =	vshll.u32 v3, $0x4  }
0x53: {  	v3 =	vand.u32 $0x7, v3;
	v4 =	vand.u32 $0xFFFFFF80, v63  }
0x54: {  	v3 =	vor.u32 v3, v4  }
0x55: {  	v4 =	vperm.xlane v3, v0;
	_ =	sdelay $0x1  }
0x56: {  	v4 =	vadd.s32 v1, v4;
	_ =	sdelay $0x4  }
0x57: {  	[tilespmem:s15], [sflag:$0x2] =	stream.indirect_vreg.gather [hbm4b:s2+s3], $0x80, v4, vm0, $0xb8;
	[tilespmem:$0x10180] =	vst v63  }
0x58: {  	s13 =	rddreg [dreg:$0x13]  }
0x59: {  	[tilespmem:s13], [sflag:$0x2] =	stream.indirect_vreg.gather [hbm4b:s5+s3], $0x80, v4, vm0, $0xb8;
	[tilespmem:$0x10180] =	vst v63  }
0x5a: {  	s31 =	rddreg [dreg:$0x14]  }
0x5b: {  	[tilespmem:s31], [sflag:$0x2] =	stream.indirect_vreg.gather [hbm4b:s6+s3], $0x80, v4, vm0, $0xb8;
	[tilespmem:$0x10180] =	vst v63  }
0x5c: {  	s12 =	rddreg [dreg:$0x15]  }
0x5d: {  	[tilespmem:s12], [sflag:$0x2] =	stream.indirect_vreg.gather [hbm4b:s7+s3], $0x80, v4, vm0, $0xb8;
	[tilespmem:$0x10180] =	vst v63  }
0x5e: {  	s13 =	rddreg [dreg:$0x16]  }
0x5f: {  	[tilespmem:s13], [sflag:$0x2] =	stream.indirect_vreg.gather [hbm4b:s8+s3], $0x80, v4, vm0, $0xb8;
	[tilespmem:$0x10180] =	vst v63  }
0x60: {  	v3 =	vperm.xlane v3, v2  }
0x61: {  	[tilespmem:s16], [sflag:$0x2] =	stream.indirect_vreg.gather [hbm4b:s9+s3], $0x80, v4, vm0, $0xb8;
	[tilespmem:$0x10180] =	vst v63  }
0x62: {  	v3 =	vadd.s32 v1, v3  }
0x63: {  	[tilespmem:s17], [sflag:$0x2] =	stream.indirect_vreg.gather [hbm4b:s10+s3], $0x80, v4, vm0, $0xb8;
	[tilespmem:$0x10180] =	vst v63  }
0x64: {  	_ = 	snop  }
0x65: {  	[tilespmem:s18], [sflag:$0x2] =	stream.indirect_vreg.gather [hbm4b:s11+s3], $0x80, v4, vm0, $0xb8;
	[tilespmem:$0x10180] =	vst v63  }
0x66: {  	_ = 	snop  }
0x67: {  	[tilespmem:s19], [sflag:$0x2] =	stream.indirect_vreg.gather [hbm4b:s2+s3], $0x80, v3, vm0, $0xb8;
	[tilespmem:$0x10180] =	vst v63  }
0x68: {  	_ = 	snop  }
0x69: {  	[tilespmem:s20], [sflag:$0x2] =	stream.indirect_vreg.gather [hbm4b:s5+s3], $0x80, v3, vm0, $0xb8;
	[tilespmem:$0x10180] =	vst v63  }
0x6a: {  	_ = 	snop  }
0x6b: {  	[tilespmem:s21], [sflag:$0x2] =	stream.indirect_vreg.gather [hbm4b:s6+s3], $0x80, v3, vm0, $0xb8;
	[tilespmem:$0x10180] =	vst v63  }
0x6c: {  	_ = 	snop  }
0x6d: {  	[tilespmem:s22], [sflag:$0x2] =	stream.indirect_vreg.gather [hbm4b:s7+s3], $0x80, v3, vm0, $0xb8;
	[tilespmem:$0x10180] =	vst v63  }
0x6e: {  	_ = 	snop  }
0x6f: {  	[tilespmem:s23], [sflag:$0x2] =	stream.indirect_vreg.gather [hbm4b:s8+s3], $0x80, v3, vm0, $0xb8;
	[tilespmem:$0x10180] =	vst v63  }
0x70: {  	_ = 	snop  }
0x71: {  	[tilespmem:s24], [sflag:$0x2] =	stream.indirect_vreg.gather [hbm4b:s9+s3], $0x80, v3, vm0, $0xb8;
	[tilespmem:$0x10180] =	vst v63  }
0x72: {  	_ = 	snop  }
0x73: {  	[tilespmem:s25], [sflag:$0x2] =	stream.indirect_vreg.gather [hbm4b:s10+s3], $0x80, v3, vm0, $0xb8;
	[tilespmem:$0x10180] =	vst v63  }
0x74: {  	_ = 	snop  }
0x75: {  	[tilespmem:s26], [sflag:$0x2] =	stream.indirect_vreg.gather [hbm4b:s11+s3], $0x80, v3, vm0, $0xb8;
	[tilespmem:$0x10180] =	vst v63  }
0x76: {  	_ =	swait.ge [sflag:s28], $0x8000  }
0x77: {  	s31 =	rddreg [dreg:$0x3];
	[sflag:s28] =	ssyncset.done $0x0  }
0x78: {  	p1 =	por $0x0, $0x0;
	[sflag:s28] =	ssyncadd.s32 $0xFFFF8000;
	s13 =	sadd.s32 $0x0, s31  }
0x79: {  	[hbm4b:s13+s3] =	stream.linear.scatter [tilespmem:s14], [sflag:$0x3], $0x8000, $0x38;
	[tilespmem:$0x10180] =	vst v63  }
0x7a: {  	s0 =	simm.s32 $0x2000;
	s4 =	simm.s32 $0x30;
	_ =	swait.ge [sflag:s29], $0x8000  }
0x7b: {  	s12 =	simm.s32 $0x4000;
	s30 =	sadd.s32 $0x1000, s13;
	[sflag:s29] =	ssyncset.done $0x0  }
.LBB2_2:
0x7c: {  	s31 =	simm.s32 @!p1 $0x3;
	[sflag:s29] =	ssyncadd.s32 $0xFFFF8000  }
0x7d: {  	[hbm4b:s30+s3] =	stream.linear.scatter [tilespmem:s15], [sflag:$0x4], $0x8000, $0x38;
	[tilespmem:$0x10180] =	vst v63  }
0x7e: {  	_ =	swait.ge @!p1 [sflag:s31], $0x8000  }
0x7f: {  	[sflag:s31] =	ssyncset.done @!p1 $0x0  }
0x80: {  	[sflag:s31] =	ssyncadd.s32 @!p1 $0xFFFF8000  }
0x81: {  	v3 =	vld [tilespmem:s4+$0xFFFFFFF0];
	_ =	sdelay $0x4  }
0x82: {  	v4 =	vshll.u32 v3, $0x4  }
0x83: {  	v3 =	vand.u32 $0x7, v3;
	v4 =	vand.u32 $0xFFFFFF80, v4  }
0x84: {  	v3 =	vor.u32 v3, v4  }
0x85: {  	v4 =	vperm.xlane v3, v0;
	_ =	sdelay $0x1  }
0x86: {  	v4 =	vadd.s32 v1, v4;
	_ =	sdelay $0x4  }
0x87: {  	[tilespmem:s14], [sflag:$0x1] =	stream.indirect_vreg.gather [hbm4b:s2+s3], $0x80, v4, vm0, $0xb8;
	[tilespmem:$0x10180] =	vst v63  }
0x88: {  	s30 =	rddreg [dreg:$0x4]  }
0x89: {  	[tilespmem:s30], [sflag:$0x1] =	stream.indirect_vreg.gather [hbm4b:s5+s3], $0x80, v4, vm0, $0xb8;
	[tilespmem:$0x10180] =	vst v63  }
0x8a: {  	s31 =	rddreg [dreg:$0x5]  }
0x8b: {  	[tilespmem:s31], [sflag:$0x1] =	stream.indirect_vreg.gather [hbm4b:s6+s3], $0x80, v4, vm0, $0xb8;
	[tilespmem:$0x10180] =	vst v63  }
0x8c: {  	s30 =	rddreg [dreg:$0x6]  }
0x8d: {  	[tilespmem:s30], [sflag:$0x1] =	stream.indirect_vreg.gather [hbm4b:s7+s3], $0x80, v4, vm0, $0xb8;
	[tilespmem:$0x10180] =	vst v63  }
0x8e: {  	s31 =	rddreg [dreg:$0x7]  }
0x8f: {  	[tilespmem:s31], [sflag:$0x1] =	stream.indirect_vreg.gather [hbm4b:s8+s3], $0x80, v4, vm0, $0xb8;
	[tilespmem:$0x10180] =	vst v63  }
0x90: {  	v3 =	vperm.xlane v3, v2;
	s30 =	rddreg [dreg:$0x8]  }
0x91: {  	[tilespmem:s30], [sflag:$0x1] =	stream.indirect_vreg.gather [hbm4b:s9+s3], $0x80, v4, vm0, $0xb8;
	[tilespmem:$0x10180] =	vst v63  }
0x92: {  	v3 =	vadd.s32 v1, v3;
	s31 =	rddreg [dreg:$0x9]  }
0x93: {  	[tilespmem:s31], [sflag:$0x1] =	stream.indirect_vreg.gather [hbm4b:s10+s3], $0x80, v4, vm0, $0xb8;
	[tilespmem:$0x10180] =	vst v63  }
0x94: {  	s30 =	rddreg [dreg:$0xa]  }
0x95: {  	[tilespmem:s30], [sflag:$0x1] =	stream.indirect_vreg.gather [hbm4b:s11+s3], $0x80, v4, vm0, $0xb8;
	[tilespmem:$0x10180] =	vst v63  }
0x96: {  	s31 =	rddreg [dreg:$0xb]  }
0x97: {  	[tilespmem:s31], [sflag:$0x1] =	stream.indirect_vreg.gather [hbm4b:s2+s3], $0x80, v3, vm0, $0xb8;
	[tilespmem:$0x10180] =	vst v63  }
0x98: {  	s30 =	rddreg [dreg:$0xc]  }
0x99: {  	[tilespmem:s30], [sflag:$0x1] =	stream.indirect_vreg.gather [hbm4b:s5+s3], $0x80, v3, vm0, $0xb8;
	[tilespmem:$0x10180] =	vst v63  }
0x9a: {  	s31 =	rddreg [dreg:$0xd]  }
0x9b: {  	[tilespmem:s31], [sflag:$0x1] =	stream.indirect_vreg.gather [hbm4b:s6+s3], $0x80, v3, vm0, $0xb8;
	[tilespmem:$0x10180] =	vst v63  }
0x9c: {  	s30 =	rddreg [dreg:$0xe]  }
0x9d: {  	[tilespmem:s30], [sflag:$0x1] =	stream.indirect_vreg.gather [hbm4b:s7+s3], $0x80, v3, vm0, $0xb8;
	[tilespmem:$0x10180] =	vst v63  }
0x9e: {  	s31 =	rddreg [dreg:$0xf]  }
0x9f: {  	[tilespmem:s31], [sflag:$0x1] =	stream.indirect_vreg.gather [hbm4b:s8+s3], $0x80, v3, vm0, $0xb8;
	[tilespmem:$0x10180] =	vst v63  }
0xa0: {  	s30 =	rddreg [dreg:$0x10]  }
0xa1: {  	[tilespmem:s30], [sflag:$0x1] =	stream.indirect_vreg.gather [hbm4b:s9+s3], $0x80, v3, vm0, $0xb8;
	[tilespmem:$0x10180] =	vst v63  }
0xa2: {  	s31 =	rddreg [dreg:$0x11]  }
0xa3: {  	[tilespmem:s31], [sflag:$0x1] =	stream.indirect_vreg.gather [hbm4b:s10+s3], $0x80, v3, vm0, $0xb8;
	[tilespmem:$0x10180] =	vst v63  }
0xa4: {  	s30 =	rddreg [dreg:$0x12];
	s31 =	simm.s32 @!p1 $0x4  }
0xa5: {  	[tilespmem:s30], [sflag:$0x1] =	stream.indirect_vreg.gather [hbm4b:s11+s3], $0x80, v3, vm0, $0xb8;
	[tilespmem:$0x10180] =	vst v63  }
0xa6: {  	_ =	swait.ge @!p1 [sflag:s31], $0x8000  }
0xa7: {  	[sflag:s31] =	ssyncset.done @!p1 $0x0  }
0xa8: {  	[sflag:s31] =	ssyncadd.s32 @!p1 $0xFFFF8000  }
0xa9: {  	v3 =	vld [tilespmem:s4+$0x0];
	_ =	sdelay $0x4  }
0xaa: {  	v63 =	vshll.u32 v3, $0x4  }
0xab: {  	v3 =	vand.u32 $0x7, v3;
	v4 =	vand.u32 $0xFFFFFF80, v63  }
0xac: {  	v3 =	vor.u32 v3, v4  }
0xad: {  	v4 =	vperm.xlane v3, v0;
	_ =	sdelay $0x1  }
0xae: {  	v4 =	vadd.s32 v1, v4;
	_ =	sdelay $0x4  }
0xaf: {  	[tilespmem:s15], [sflag:$0x2] =	stream.indirect_vreg.gather [hbm4b:s2+s3], $0x80, v4, vm0, $0xb8;
	[tilespmem:$0x10180] =	vst v63  }
0xb0: {  	s30 =	rddreg [dreg:$0x13]  }
0xb1: {  	[tilespmem:s30], [sflag:$0x2] =	stream.indirect_vreg.gather [hbm4b:s5+s3], $0x80, v4, vm0, $0xb8;
	[tilespmem:$0x10180] =	vst v63  }
0xb2: {  	s31 =	rddreg [dreg:$0x14]  }
0xb3: {  	[tilespmem:s31], [sflag:$0x2] =	stream.indirect_vreg.gather [hbm4b:s6+s3], $0x80, v4, vm0, $0xb8;
	[tilespmem:$0x10180] =	vst v63  }
0xb4: {  	s30 =	rddreg [dreg:$0x15]  }
0xb5: {  	[tilespmem:s30], [sflag:$0x2] =	stream.indirect_vreg.gather [hbm4b:s7+s3], $0x80, v4, vm0, $0xb8;
	[tilespmem:$0x10180] =	vst v63  }
0xb6: {  	s31 =	rddreg [dreg:$0x16]  }
0xb7: {  	[tilespmem:s31], [sflag:$0x2] =	stream.indirect_vreg.gather [hbm4b:s8+s3], $0x80, v4, vm0, $0xb8;
	[tilespmem:$0x10180] =	vst v63  }
0xb8: {  	v3 =	vperm.xlane v3, v2  }
0xb9: {  	[tilespmem:s16], [sflag:$0x2] =	stream.indirect_vreg.gather [hbm4b:s9+s3], $0x80, v4, vm0, $0xb8;
	[tilespmem:$0x10180] =	vst v63  }
0xba: {  	v3 =	vadd.s32 v1, v3  }
0xbb: {  	[tilespmem:s17], [sflag:$0x2] =	stream.indirect_vreg.gather [hbm4b:s10+s3], $0x80, v4, vm0, $0xb8;
	[tilespmem:$0x10180] =	vst v63  }
0xbc: {  	_ = 	snop  }
0xbd: {  	[tilespmem:s18], [sflag:$0x2] =	stream.indirect_vreg.gather [hbm4b:s11+s3], $0x80, v4, vm0, $0xb8;
	[tilespmem:$0x10180] =	vst v63  }
0xbe: {  	_ = 	snop  }
0xbf: {  	[tilespmem:s19], [sflag:$0x2] =	stream.indirect_vreg.gather [hbm4b:s2+s3], $0x80, v3, vm0, $0xb8;
	[tilespmem:$0x10180] =	vst v63  }
0xc0: {  	_ = 	snop  }
0xc1: {  	[tilespmem:s20], [sflag:$0x2] =	stream.indirect_vreg.gather [hbm4b:s5+s3], $0x80, v3, vm0, $0xb8;
	[tilespmem:$0x10180] =	vst v63  }
0xc2: {  	_ = 	snop  }
0xc3: {  	[tilespmem:s21], [sflag:$0x2] =	stream.indirect_vreg.gather [hbm4b:s6+s3], $0x80, v3, vm0, $0xb8;
	[tilespmem:$0x10180] =	vst v63  }
0xc4: {  	_ = 	snop  }
0xc5: {  	[tilespmem:s22], [sflag:$0x2] =	stream.indirect_vreg.gather [hbm4b:s7+s3], $0x80, v3, vm0, $0xb8;
	[tilespmem:$0x10180] =	vst v63  }
0xc6: {  	_ = 	snop  }
0xc7: {  	[tilespmem:s23], [sflag:$0x2] =	stream.indirect_vreg.gather [hbm4b:s8+s3], $0x80, v3, vm0, $0xb8;
	[tilespmem:$0x10180] =	vst v63  }
0xc8: {  	_ = 	snop  }
0xc9: {  	[tilespmem:s24], [sflag:$0x2] =	stream.indirect_vreg.gather [hbm4b:s9+s3], $0x80, v3, vm0, $0xb8;
	[tilespmem:$0x10180] =	vst v63  }
0xca: {  	_ = 	snop  }
0xcb: {  	[tilespmem:s25], [sflag:$0x2] =	stream.indirect_vreg.gather [hbm4b:s10+s3], $0x80, v3, vm0, $0xb8;
	[tilespmem:$0x10180] =	vst v63  }
0xcc: {  	s13 =	smov.u32 s12;
	s12 =	sadd.s32 $0x2000, s12  }
0xcd: {  	[tilespmem:s26], [sflag:$0x2] =	stream.indirect_vreg.gather [hbm4b:s11+s3], $0x80, v3, vm0, $0xb8;
	[tilespmem:$0x10180] =	vst v63  }
0xce: {  	p0 =	sne.s32 s12, $0x18000;
	_ =	swait.ge [sflag:s28], $0x8000  }
.Ltmp0:
0xcf: {  	s30 =	rddreg [dreg:$0x3];
	[sflag:s28] =	ssyncset.done $0x0;
	(pc) =	sbr.rel @p0 .LBB2_2-.Ltmp0, $4  }
0xd0: {  	[sflag:s28] =	ssyncadd.s32 $0xFFFF8000;
	s30 =	sadd.s32 s0, s30  }
0xd1: {  	[hbm4b:s30+s3] =	stream.linear.scatter [tilespmem:s14], [sflag:$0x3], $0x8000, $0x38;
	[tilespmem:$0x10180] =	vst v63  }
0xd2: {  	s4 =	sadd.s32 $0x20, s4;
	s0 =	smov.u32 s13;
	_ =	swait.ge [sflag:s29], $0x8000  }
0xd3: {  	p1 =	seq.s32 s0, $0x0;
	s30 =	sadd.s32 $0x1000, s30;
	[sflag:s29] =	ssyncset.done $0x0  }
0xd4: {  	s12 =	simm.s32 @!p1 $0x3;
	[sflag:s29] =	ssyncadd.s32 $0xFFFF8000  }
0xd5: {  	[hbm4b:s30+s3] =	stream.linear.scatter [tilespmem:s15], [sflag:$0x4], $0x8000, $0x38;
	[tilespmem:$0x10180] =	vst v63  }
0xd6: {  	_ =	swait.ge @!p1 [sflag:s12], $0x8000  }
0xd7: {  	[sflag:s12] =	ssyncset.done @!p1 $0x0  }
0xd8: {  	[sflag:s12] =	ssyncadd.s32 @!p1 $0xFFFF8000  }
0xd9: {  	v3 =	vld [tilespmem:s4+$0xFFFFFFF0];
	_ =	sdelay $0x4  }
0xda: {  	v4 =	vshll.u32 v3, $0x4  }
0xdb: {  	v3 =	vand.u32 $0x7, v3;
	v4 =	vand.u32 $0xFFFFFF80, v4  }
0xdc: {  	v3 =	vor.u32 v3, v4  }
0xdd: {  	v4 =	vperm.xlane v3, v0;
	_ =	sdelay $0x1  }
0xde: {  	v4 =	vadd.s32 v1, v4;
	_ =	sdelay $0x4  }
0xdf: {  	[tilespmem:s14], [sflag:$0x1] =	stream.indirect_vreg.gather [hbm4b:s2+s3], $0x80, v4, vm0, $0xb8;
	[tilespmem:$0x10180] =	vst v63  }
0xe0: {  	s30 =	rddreg [dreg:$0x4]  }
0xe1: {  	[tilespmem:s30], [sflag:$0x1] =	stream.indirect_vreg.gather [hbm4b:s5+s3], $0x80, v4, vm0, $0xb8;
	[tilespmem:$0x10180] =	vst v63  }
0xe2: {  	s13 =	rddreg [dreg:$0x5]  }
0xe3: {  	[tilespmem:s13], [sflag:$0x1] =	stream.indirect_vreg.gather [hbm4b:s6+s3], $0x80, v4, vm0, $0xb8;
	[tilespmem:$0x10180] =	vst v63  }
0xe4: {  	s31 =	rddreg [dreg:$0x6]  }
0xe5: {  	[tilespmem:s31], [sflag:$0x1] =	stream.indirect_vreg.gather [hbm4b:s7+s3], $0x80, v4, vm0, $0xb8;
	[tilespmem:$0x10180] =	vst v63  }
0xe6: {  	s30 =	rddreg [dreg:$0x7]  }
0xe7: {  	[tilespmem:s30], [sflag:$0x1] =	stream.indirect_vreg.gather [hbm4b:s8+s3], $0x80, v4, vm0, $0xb8;
	[tilespmem:$0x10180] =	vst v63  }
0xe8: {  	v3 =	vperm.xlane v3, v2;
	s31 =	rddreg [dreg:$0x8]  }
0xe9: {  	[tilespmem:s31], [sflag:$0x1] =	stream.indirect_vreg.gather [hbm4b:s9+s3], $0x80, v4, vm0, $0xb8;
	[tilespmem:$0x10180] =	vst v63  }
0xea: {  	v3 =	vadd.s32 v1, v3;
	s30 =	rddreg [dreg:$0x9]  }
0xeb: {  	[tilespmem:s30], [sflag:$0x1] =	stream.indirect_vreg.gather [hbm4b:s10+s3], $0x80, v4, vm0, $0xb8;
	[tilespmem:$0x10180] =	vst v63  }
0xec: {  	s31 =	rddreg [dreg:$0xa]  }
0xed: {  	[tilespmem:s31], [sflag:$0x1] =	stream.indirect_vreg.gather [hbm4b:s11+s3], $0x80, v4, vm0, $0xb8;
	[tilespmem:$0x10180] =	vst v63  }
0xee: {  	s30 =	rddreg [dreg:$0xb]  }
0xef: {  	[tilespmem:s30], [sflag:$0x1] =	stream.indirect_vreg.gather [hbm4b:s2+s3], $0x80, v3, vm0, $0xb8;
	[tilespmem:$0x10180] =	vst v63  }
0xf0: {  	s31 =	rddreg [dreg:$0xc]  }
0xf1: {  	[tilespmem:s31], [sflag:$0x1] =	stream.indirect_vreg.gather [hbm4b:s5+s3], $0x80, v3, vm0, $0xb8;
	[tilespmem:$0x10180] =	vst v63  }
0xf2: {  	s30 =	rddreg [dreg:$0xd]  }
0xf3: {  	[tilespmem:s30], [sflag:$0x1] =	stream.indirect_vreg.gather [hbm4b:s6+s3], $0x80, v3, vm0, $0xb8;
	[tilespmem:$0x10180] =	vst v63  }
0xf4: {  	s31 =	rddreg [dreg:$0xe]  }
0xf5: {  	[tilespmem:s31], [sflag:$0x1] =	stream.indirect_vreg.gather [hbm4b:s7+s3], $0x80, v3, vm0, $0xb8;
	[tilespmem:$0x10180] =	vst v63  }
0xf6: {  	s30 =	rddreg [dreg:$0xf]  }
0xf7: {  	[tilespmem:s30], [sflag:$0x1] =	stream.indirect_vreg.gather [hbm4b:s8+s3], $0x80, v3, vm0, $0xb8;
	[tilespmem:$0x10180] =	vst v63  }
0xf8: {  	s31 =	rddreg [dreg:$0x10]  }
0xf9: {  	[tilespmem:s31], [sflag:$0x1] =	stream.indirect_vreg.gather [hbm4b:s9+s3], $0x80, v3, vm0, $0xb8;
	[tilespmem:$0x10180] =	vst v63  }
0xfa: {  	s30 =	rddreg [dreg:$0x11]  }
0xfb: {  	[tilespmem:s30], [sflag:$0x1] =	stream.indirect_vreg.gather [hbm4b:s10+s3], $0x80, v3, vm0, $0xb8;
	[tilespmem:$0x10180] =	vst v63  }
0xfc: {  	s12 =	simm.s32 @!p1 $0x4;
	s31 =	rddreg [dreg:$0x12]  }
0xfd: {  	[tilespmem:s31], [sflag:$0x1] =	stream.indirect_vreg.gather [hbm4b:s11+s3], $0x80, v3, vm0, $0xb8;
	[tilespmem:$0x10180] =	vst v63  }
0xfe: {  	_ =	swait.ge @!p1 [sflag:s12], $0x8000  }
0xff: {  	[sflag:s12] =	ssyncset.done @!p1 $0x0  }
0x100: {  	[sflag:s12] =	ssyncadd.s32 @!p1 $0xFFFF8000  }
0x101: {  	v3 =	vld [tilespmem:s4+$0x0];
	_ =	sdelay $0x4  }
0x102: {  	v63 =	vshll.u32 v3, $0x4  }
0x103: {  	v3 =	vand.u32 $0x7, v3;
	v4 =	vand.u32 $0xFFFFFF80, v63  }
0x104: {  	v3 =	vor.u32 v3, v4  }
0x105: {  	v4 =	vperm.xlane v3, v0;
	_ =	sdelay $0x1  }
0x106: {  	v4 =	vadd.s32 v1, v4;
	_ =	sdelay $0x4  }
0x107: {  	[tilespmem:s15], [sflag:$0x2] =	stream.indirect_vreg.gather [hbm4b:s2+s3], $0x80, v4, vm0, $0xb8;
	[tilespmem:$0x10180] =	vst v63  }
0x108: {  	s12 =	rddreg [dreg:$0x13]  }
0x109: {  	[tilespmem:s12], [sflag:$0x2] =	stream.indirect_vreg.gather [hbm4b:s5+s3], $0x80, v4, vm0, $0xb8;
	[tilespmem:$0x10180] =	vst v63  }
0x10a: {  	s13 =	rddreg [dreg:$0x14]  }
0x10b: {  	[tilespmem:s13], [sflag:$0x2] =	stream.indirect_vreg.gather [hbm4b:s6+s3], $0x80, v4, vm0, $0xb8;
	[tilespmem:$0x10180] =	vst v63  }
0x10c: {  	s30 =	rddreg [dreg:$0x15]  }
0x10d: {  	[tilespmem:s30], [sflag:$0x2] =	stream.indirect_vreg.gather [hbm4b:s7+s3], $0x80, v4, vm0, $0xb8;
	[tilespmem:$0x10180] =	vst v63  }
0x10e: {  	s31 =	rddreg [dreg:$0x16]  }
0x10f: {  	[tilespmem:s31], [sflag:$0x2] =	stream.indirect_vreg.gather [hbm4b:s8+s3], $0x80, v4, vm0, $0xb8;
	[tilespmem:$0x10180] =	vst v63  }
0x110: {  	v3 =	vperm.xlane v3, v2  }
0x111: {  	[tilespmem:s16], [sflag:$0x2] =	stream.indirect_vreg.gather [hbm4b:s9+s3], $0x80, v4, vm0, $0xb8;
	[tilespmem:$0x10180] =	vst v63  }
0x112: {  	v3 =	vadd.s32 v1, v3  }
0x113: {  	[tilespmem:s17], [sflag:$0x2] =	stream.indirect_vreg.gather [hbm4b:s10+s3], $0x80, v4, vm0, $0xb8;
	[tilespmem:$0x10180] =	vst v63  }
0x114: {  	_ = 	snop  }
0x115: {  	[tilespmem:s18], [sflag:$0x2] =	stream.indirect_vreg.gather [hbm4b:s11+s3], $0x80, v4, vm0, $0xb8;
	[tilespmem:$0x10180] =	vst v63  }
0x116: {  	_ = 	snop  }
0x117: {  	[tilespmem:s19], [sflag:$0x2] =	stream.indirect_vreg.gather [hbm4b:s2+s3], $0x80, v3, vm0, $0xb8;
	[tilespmem:$0x10180] =	vst v63  }
0x118: {  	_ = 	snop  }
0x119: {  	[tilespmem:s20], [sflag:$0x2] =	stream.indirect_vreg.gather [hbm4b:s5+s3], $0x80, v3, vm0, $0xb8;
	[tilespmem:$0x10180] =	vst v63  }
0x11a: {  	_ = 	snop  }
0x11b: {  	[tilespmem:s21], [sflag:$0x2] =	stream.indirect_vreg.gather [hbm4b:s6+s3], $0x80, v3, vm0, $0xb8;
	[tilespmem:$0x10180] =	vst v63  }
0x11c: {  	_ = 	snop  }
0x11d: {  	[tilespmem:s22], [sflag:$0x2] =	stream.indirect_vreg.gather [hbm4b:s7+s3], $0x80, v3, vm0, $0xb8;
	[tilespmem:$0x10180] =	vst v63  }
0x11e: {  	_ = 	snop  }
0x11f: {  	[tilespmem:s23], [sflag:$0x2] =	stream.indirect_vreg.gather [hbm4b:s8+s3], $0x80, v3, vm0, $0xb8;
	[tilespmem:$0x10180] =	vst v63  }
0x120: {  	_ = 	snop  }
0x121: {  	[tilespmem:s24], [sflag:$0x2] =	stream.indirect_vreg.gather [hbm4b:s9+s3], $0x80, v3, vm0, $0xb8;
	[tilespmem:$0x10180] =	vst v63  }
0x122: {  	_ = 	snop  }
0x123: {  	[tilespmem:s25], [sflag:$0x2] =	stream.indirect_vreg.gather [hbm4b:s10+s3], $0x80, v3, vm0, $0xb8;
	[tilespmem:$0x10180] =	vst v63  }
0x124: {  	_ = 	snop  }
0x125: {  	[tilespmem:s26], [sflag:$0x2] =	stream.indirect_vreg.gather [hbm4b:s11+s3], $0x80, v3, vm0, $0xb8;
	[tilespmem:$0x10180] =	vst v63  }
0x126: {  	_ =	swait.ge [sflag:s28], $0x8000  }
0x127: {  	s12 =	rddreg [dreg:$0x3];
	[sflag:s28] =	ssyncset.done $0x0  }
0x128: {  	s0 =	sadd.s32 s0, s12;
	[sflag:s28] =	ssyncadd.s32 $0xFFFF8000  }
0x129: {  	[hbm4b:s0+s3] =	stream.linear.scatter [tilespmem:s14], [sflag:$0x3], $0x8000, $0x38;
	[tilespmem:$0x10180] =	vst v63  }
0x12a: {  	_ =	swait.ge [sflag:s29], $0x8000  }
0x12b: {  	[sflag:s29] =	ssyncset.done $0x0  }
0x12c: {  	s13 =	simm.s32 $0x3;
	s0 =	sadd.s32 $0x1000, s0;
	[sflag:s29] =	ssyncadd.s32 $0xFFFF8000  }
0x12d: {  	[hbm4b:s0+s3] =	stream.linear.scatter [tilespmem:s15], [sflag:$0x4], $0x8000, $0x38;
	[tilespmem:$0x10180] =	vst v63  }
0x12e: {  	_ =	swait.ge [sflag:s13], $0x8000  }
0x12f: {  	[sflag:s13] =	ssyncset.done $0x0  }
0x130: {  	s30 =	simm.s32 $0x4;
	[sflag:s13] =	ssyncadd.s32 $0xFFFF8000  }
0x131: {  	_ =	swait.ge [sflag:s30], $0x8000  }
0x132: {  	s1 =	sadd.s32 $0x1, s1;
	s31 =	rddreg [dreg:$0x18]  }
0x133: {  	p0 =	sne.s32 s1, s31  }
.Ltmp1:
0x134: {  	_ = 	snop;
	(pc) =	sbr.rel @p0 .LBB2_1-.Ltmp1, $3  }
0x135: {  	_ =	sdelay $0x1  }
0x136: {  	[sflag:s30] =	ssyncset.done $0x0  }
0x137: {  	[sflag:s30] =	ssyncadd.s32 $0xFFFF8000  }
0x138: {  	_ =	sfence.sel $0x180000  }
0x139: {  	[bflag:$0x0] =	sbarrier.arrive $0xFFFF  }
0x13a: {  	_ =	strace $0x90000047  }
0x13b: {  	s0 =	stileid.u32;
	[bflag:$0x2] =	sbarrier.arrive $0xFFFF  }
0x13c: {  	p0 =	sne.s32 s0, $0x0;
	s0 =	rddreg [dreg:$0x2]  }
0x13d: {  	s0 =	sadd.s32 @!p0 $0x100000, s0  }
0x13e: {  	[sflag:s0] =	ssyncadd.tile.s32 @!p0 $0x1;
	_ =	shalt  }
.Lfunc_end2:
_tile_overlayer_lowered:
.L_overlay_start_2:
0x13f: {  	(tag) =	ssettag $0x2  }
0x140: {  	s0 =	rddreg [dreg:$0x0];
	s2 =	stileid.u32  }
0x141: {  	s1 =	rddreg [dreg:$0x1];
	p0 =	sne.s32 s2, $0x0  }
0x142: {  	s3 =	rddreg [dreg:$0x2];
	[bflag:$0x3] =	sbarrier.arrive $0xFFFF;
	s2 =	simm.s32 @!p0 $0x1C05  }
0x143: {  	[timem:s3], [sflag:s2] =	dma.local @!p0 [hbm:s0], s1  }
0x144: {  	s0 =	simm.s32 @!p0 $0x5  }
0x145: {  	_ =	swait.ge @!p0 [sflag:s0], s1  }
0x146: {  	s1 =	ssub.s32 @!p0 $0x0, s1;
	[sflag:s0] =	ssyncset.done @!p0 $0x0  }
0x147: {  	[sflag:s0] =	ssyncadd.s32 @!p0 s1  }
0x148: {  	[bflag:$0x3] =	sbarrier.arrive $0xFFFF  }
0x149: {  	_ =	shalt  }

// kernel: kernel.8.cloned.1.call-start
scs
__scs_entry_jumppad:
0x0: {  	(pc) =	sbr.rel $0x88, $3  }
0x1: {  	(tag) =	ssettag $0x0;
	lr =	simm.s32 $0x1  }
0x2: {  	[smem:$0x3F9C] =	sst lr;
	_ =	strace $0xD0000000  }
0x3: {  	_ = 	snop  }
0x4: {  	_ = 	snop  }
0x5: {  	_ = 	snop  }
0x6: {  	_ = 	snop  }
0x7: {  	_ = 	snop  }
__scs_overlays_trampoline_lowered:
0x8: {  	[smem:$0x3FAB] =	sst s0  }
0x9: {  	[smem:$0x3FAC] =	sst s1  }
0xa: {  	[smem:$0x3FAD] =	sst s2  }
0xb: {  	[smem:$0x3FAE] =	sst s3  }
0xc: {  	[smem:$0x3FAF] =	sst s4  }
0xd: {  	[smem:$0x3FB0] =	sst s5  }
0xe: {  	[smem:$0x3FB1] =	sst s6  }
0xf: {  	[smem:$0x3FB2] =	sst s7  }
0x10: {  	[smem:$0x3FB3] =	sst s8  }
0x11: {  	[smem:$0x3FB4] =	sst s9;
	s0 =	simm.s32 @!p0 $0x0  }
0x12: {  	s1 =	sld [smem:$0x3F9A];
	s0 =	simm.s32 @p0 $0x1  }
0x13: {  	[smem:$0x3FB5] =	sst s0;
	s0 =	simm.s32 @!p1 $0x0  }
0x14: {  	s2 =	sld [smem:$0x3F99];
	s0 =	simm.s32 @p1 $0x1  }
0x15: {  	[smem:$0x3FB6] =	sst s0;
	s0 =	simm.s32 @!p2 $0x0  }
0x16: {  	s3 =	sld [smem:$0x3FDB];
	s0 =	simm.s32 @p2 $0x1  }
0x17: {  	s4 =	simm.s32 $0x1BF5;
	[smem:$0x3FB8] =	sst s0  }
0x18: {  	s0 =	sld [smem:$0x3F9B];
	_ =	swait.ge [sflag:s4], $0x0  }
0x19: {  	s7 =	sld [smem:$0x3F9C]  }
0x1a: {  	s8 =	sadd.s32 $0xFFFFE003, lr  }
0x1b: {  	s9 =	sadd.s32 $0xFFFFFEF7, lr;
	s5 =	simm.s32 $0xFFFFFFFF;
	p2 =	slt.u32 s8, $0xFFFFF086  }
0x1c: {  	p1 =	slt.u32 s9, $0xF7A;
	s5 =	simm.s32 @!p2 $0x0  }
0x1d: {  	s5 =	simm.s32 @p1 $0x1;
	p0 =	seq.s32 s7, s2  }
0x1e: {  	s7 =	smul.u32 @!p0 $0xF7A, s2;
	p2 =	seq.s32 @!p0 s5, $0x0  }
0x1f: {  	s9 =	smul.u32 $0xF7A, s1;
	s8 =	simm.s32 @!p0 $0x1BF5;
	p2 =	por !p2, p0  }
0x20: {  	[sflag:s8] =	ssyncset.s32 @!p0 $0xFFFFF086;
	s6 =	sadd.s32 @!p0 s3, s7;
	s7 =	simm.s32 @!p0 $0x108  }
0x21: {  	s3 =	sadd.s32 s3, s9;
	s6 =	sadd.s32 @!p0 $0x88, s6;
	s7 =	simm.s32 @p2 $0x1082  }
0x22: {  	[simem:s7], [sflag:s8] =	dma.local @!p0 [hbm:s6], $0xF7A  }
0x23: {  	s9 =	sor.u32 $0xD0000000, s2;
	s6 =	simm.s32 $0x108;
	_ =	swait.ge @!p0 [sflag:s8], $0x0  }
0x24: {  	s3 =	sadd.s32 $0x88, s3;
	s6 =	simm.s32 @!p1 $0x1082;
	[sflag:s4] =	ssyncset.s32 $0xFFFFF086  }
0x25: {  	[simem:s6], [sflag:s4] =	dma.local [hbm:s3], $0xF7A  }
0x26: {  	[smem:$0x3F9C] =	sst s1;
	(tag) =	ssettag s2;
	_ =	strace s9  }
0x27: {  	s1 =	sld [smem:$0x3FAC]  }
0x28: {  	s2 =	sld [smem:$0x3FAD]  }
0x29: {  	s4 =	sld [smem:$0x3FAF]  }
0x2a: {  	p0 =	seq.s32 s5, $0x0;
	s5 =	sld [smem:$0x3FB0]  }
0x2b: {  	s6 =	sld [smem:$0x3FB1]  }
0x2c: {  	s7 =	sld [smem:$0x3FB2]  }
0x2d: {  	s3 =	simm.s32 $0x108;
	s8 =	sld [smem:$0x3FB3]  }
0x2e: {  	s3 =	simm.s32 @!p0 $0x1082;
	s9 =	sld [smem:$0x3FB4]  }
0x2f: {  	lr =	sadd.s32 s0, s3;
	s0 =	sld [smem:$0x3FAB]  }
0x30: {  	s3 =	sld [smem:$0x3FAE]  }
0x31: {  	[smem:$0x3FB7] =	sst s10  }
0x32: {  	s10 =	sld [smem:$0x3FB5];
	_ =	sdelay $0x3  }
0x33: {  	p0 =	seq.s32 s10, $0x1;
	s10 =	sld [smem:$0x3FB7];
	_ =	sdelay $0x3  }
0x34: {  	[smem:$0x3FB7] =	sst s10  }
0x35: {  	s10 =	sld [smem:$0x3FB6];
	_ =	sdelay $0x3  }
0x36: {  	p1 =	seq.s32 s10, $0x1;
	s10 =	sld [smem:$0x3FB7];
	_ =	sdelay $0x3  }
0x37: {  	[smem:$0x3FB7] =	sst s10  }
0x38: {  	s10 =	sld [smem:$0x3FB8]  }
0x39: {  	_ = 	snop;
	(pc) =	sbr.ind lr, $3  }
0x3a: {  	_ = 	snop  }
0x3b: {  	_ = 	snop  }
0x3c: {  	p2 =	seq.s32 s10, $0x1;
	s10 =	sld [smem:$0x3FB7]  }
0x3d: {  	_ =	shalt  }
0x3e: {  	_ =	shalt  }
0x3f: {  	_ =	shalt  }
0x40: {  	_ =	shalt  }
0x41: {  	_ =	shalt  }
0x42: {  	_ =	shalt  }
0x43: {  	_ =	shalt  }
0x44: {  	_ =	shalt  }
0x45: {  	_ =	shalt  }
0x46: {  	_ =	shalt  }
0x47: {  	_ =	shalt  }
0x48: {  	_ =	shalt  }
0x49: {  	_ =	shalt  }
0x4a: {  	_ =	shalt  }
0x4b: {  	_ =	shalt  }
0x4c: {  	_ =	shalt  }
0x4d: {  	_ =	shalt  }
0x4e: {  	_ =	shalt  }
0x4f: {  	_ =	shalt  }
0x50: {  	_ =	shalt  }
0x51: {  	_ =	shalt  }
0x52: {  	_ =	shalt  }
0x53: {  	_ =	shalt  }
0x54: {  	_ =	shalt  }
0x55: {  	_ =	shalt  }
0x56: {  	_ =	shalt  }
0x57: {  	_ =	shalt  }
0x58: {  	_ =	shalt  }
0x59: {  	_ =	shalt  }
0x5a: {  	_ =	shalt  }
0x5b: {  	_ =	shalt  }
0x5c: {  	_ =	shalt  }
0x5d: {  	_ =	shalt  }
0x5e: {  	_ =	shalt  }
0x5f: {  	_ =	shalt  }
0x60: {  	_ =	shalt  }
0x61: {  	_ =	shalt  }
0x62: {  	_ =	shalt  }
0x63: {  	_ =	shalt  }
0x64: {  	_ =	shalt  }
0x65: {  	_ =	shalt  }
0x66: {  	_ =	shalt  }
0x67: {  	_ =	shalt  }
0x68: {  	_ =	shalt  }
0x69: {  	_ =	shalt  }
0x6a: {  	_ =	shalt  }
0x6b: {  	_ =	shalt  }
0x6c: {  	_ =	shalt  }
0x6d: {  	_ =	shalt  }
0x6e: {  	_ =	shalt  }
0x6f: {  	_ =	shalt  }
0x70: {  	_ =	shalt  }
0x71: {  	_ =	shalt  }
0x72: {  	_ =	shalt  }
0x73: {  	_ =	shalt  }
0x74: {  	_ =	shalt  }
0x75: {  	_ =	shalt  }
0x76: {  	_ =	shalt  }
0x77: {  	_ =	shalt  }
0x78: {  	_ =	shalt  }
0x79: {  	_ =	shalt  }
0x7a: {  	_ =	shalt  }
0x7b: {  	_ =	shalt  }
0x7c: {  	_ =	shalt  }
0x7d: {  	_ =	shalt  }
0x7e: {  	_ =	shalt  }
0x7f: {  	_ =	shalt  }
0x80: {  	_ =	shalt  }
0x81: {  	_ =	shalt  }
0x82: {  	_ =	shalt  }
0x83: {  	_ =	shalt  }
0x84: {  	_ =	shalt  }
0x85: {  	_ =	shalt  }
0x86: {  	_ =	shalt  }
0x87: {  	_ =	shalt  }
.Lfunc_end0:
.L_simem_size_0:
called_computation.1_lowered:
.L_overlay_start_0:
0x88: {  	s2 =	sld [smem:$0x3FD9]  }
0x89: {  	s3 =	sld [smem:$0x3FFE];
	_ =	sdelay $0x1  }
0x8a: {  	s1 =	srdreg.scid  }
0x8b: {  	s0 =	sand.u32 $0x1, s1  }
0x8c: {  	s17 =	sshll.u32 s0, $0xA;
	s2 =	sadd.s32 s3, s2  }
0x8d: {  	s2 =	sadd.s32 s2, s17  }
0x8e: {  	[smem:$0x3FC3] =	sst s2  }
0x8f: {  	_ = 	snop  }
0x90: {  	s2 =	sld [smem:$0x3FD0];
	(tm) =	ssettm $0x1  }
0x91: {  	s18 =	sld [smem:$0x3FFB];
	_ =	sdelay $0x3  }
0x92: {  	_ =	strace s18  }
0x93: {  	s3 =	sld [smem:$0x3FFC];
	_ =	sdelay $0x3  }
0x94: {  	_ =	strace s3  }
0x95: {  	s3 =	sld [smem:$0x3FFD];
	_ =	sdelay $0x3  }
0x96: {  	_ =	strace s3  }
0x97: {  	_ =	strace $0x8FFFFFFF  }
0x98: {  	s19 =	sld [smem:$0x3FDB];
	_ =	sdelay $0x1  }
0x99: {  	s4 =	simm.s32 $_scs_section_size  }
0x9a: {  	s5 =	simm.s32 $_size__tile_overlayer_lowered;
	s6 =	simm.s32 $_tile_overlayer_lowered  }
0x9b: {  	s22 =	simm.s32 $0x1BFF;
	s21 =	sshll.u32 s6, $0x1;
	s3 =	sadd.s32 s4, s19  }
0x9c: {  	s7 =	simm.s32 $0x0;
	s20 =	sshll.u32 s5, $0x1;
	s5 =	sadd.s32 s21, s3  }
0x9d: {  	[timem:s7], [sflag:s22] =	dma.local [hbm:s5], s20  }
0x9e: {  	_ =	swait.ge [sflag:s22], s20  }
0x9f: {  	s4 =	ssub.s32 $0x0, s20;
	[sflag:s22] =	ssyncset.done $0x0  }
0xa0: {  	[sflag:s22] =	ssyncadd.s32 s4;
	_ =	sdelay $0x1  }
0xa1: {  	s23 =	simm.s32 $0x1B8B  }
0xa2: {  	_ =	swait.ge [sflag:s23], $0x1  }
0xa3: {  	[sflag:s23] =	ssyncset.done $0x0  }
0xa4: {  	s25 =	simm.s32 $0x1B8E;
	s24 =	sld [smem:$0x3FFE];
	[sflag:s23] =	ssyncadd.s32 $0xFFFFFFFF  }
0xa5: {  	s26 =	simm.s32 $execute0_lowered;
	[smem:$0x3FD2] =	sst s25  }
0xa6: {  	s5 =	sshll.u32 s26, $0x1;
	_ =	strace $0x80000049;
	[dreg:$0x1] =	wrdreg $0xFFFFFFFF  }
0xa7: {  	s28 =	simm.s32 $_size_execute0_lowered;
	s3 =	sadd.s32 s3, s5;
	[dreg:$0x0] =	wrdreg $0x0  }
0xa8: {  	s5 =	sshll.u32 s28, $0x1;
	[dreg:$0x2] =	wrdreg s3  }
0xa9: {  	[dreg:$0x3] =	wrdreg s5  }
0xaa: {  	[dreg:$0x4] =	wrdreg $0xC0  }
0xab: {  	_ =	task [dreg:s7], $0x5FFFF  }
0xac: {  	[dreg:$0x1] =	wrdreg $0xFFFFFFFF  }
0xad: {  	[dreg:$0x0] =	wrdreg $0x60  }
0xae: {  	[dreg:$0x2] =	wrdreg s24  }
0xaf: {  	[dreg:$0x3] =	wrdreg s2  }
0xb0: {  	[dreg:$0x4] =	wrdreg $0x9  }
0xb1: {  	_ =	task.clear_ibuf [dreg:s7], $0x5FFFF;
	_ =	strace $0x90000049  }
0xb2: {  	s29 =	simm.s32 $0x9;
	_ =	strace $0x8000004B  }
0xb3: {  	_ =	swait.ge [sflag:s29], $0x1  }
0xb4: {  	[sflag:s29] =	ssyncadd.s32 $0xFFFFFFFF  }
0xb5: {  	_ =	strace $0x9000004B  }
0xb6: {  	_ =	sfence  }
0xb7: {  	s30 =	sld [smem:$0x0];
	_ =	sdelay $0x2  }
0xb8: {  	s31 =	sshll.u32 s1, $0xD;
	s1 =	sshrl.u32 s1, $0x2  }
0xb9: {  	s3 =	sand.u32 $0x4000, s31;
	s1 =	sadd.s32 s1, s30  }
0xba: {  	s0 =	sor.u32 s3, s0;
	s1 =	sshll.u32 s1, $0x11  }
0xbb: {  	s0 =	sor.u32 s1, s0  }
0xbc: {  	s0 =	sadd.s32 $0x8F2B, s0  }
0xbd: {  	[sflag:s0] =	ssyncadd.remote.s32 $0x1  }
0xbe: {  	_ =	sfence.sel $0xFFFF  }
0xbf: {  	[dreg:$0x0] =	wrdreg $0xFFFFFFFF;
	(pc) =	sbr.abs _section_cstart, $3  }
0xc0: {  	[dreg:$0x1] =	wrdreg $0xFFFFFFFF  }
0xc1: {  	_ =	task.clear_ibuf [dreg:s7], $0x2FFFF;
	_ =	strace $0x9FFFFFFF  }
0xc2: {  	(tm) =	ssettm $0x7FFFFFFF  }
0xc3: {  	_ =	shalt  }
tec
execute0_lowered:
.L_overlay_start_1:
0x0: {  	(tag) =	ssettag $0x1  }
0x1: {  	s0 =	rddreg [dreg:$0x0]  }
0x2: {  	s1 =	rddreg [dreg:$0x1];
	s2 =	simm.s32 $0x0  }
0x3: {  	s7 =	simm.s32 $0x900;
	[smem:$0x7FF] =	sst s2  }
0x4: {  	s9 =	simm.s32 $0x1100;
	_ =	strace $0x8000004A;
	[dreg:$0x4] =	wrdreg s7  }
0x5: {  	s10 =	simm.s32 $0x1900;
	[dreg:$0x5] =	wrdreg s9  }
0x6: {  	s11 =	simm.s32 $0x2100;
	[dreg:$0x6] =	wrdreg s10  }
0x7: {  	s3 =	srdreg.scid;
	s12 =	simm.s32 $0x2900;
	[dreg:$0x7] =	wrdreg s11  }
0x8: {  	s6 =	stileid.u32;
	s13 =	simm.s32 $0x3100;
	[dreg:$0x8] =	wrdreg s12  }
0x9: {  	s15 =	simm.s32 $0x3900;
	s16 =	simm.s32 $0x4100;
	[dreg:$0x9] =	wrdreg s13  }
0xa: {  	s17 =	simm.s32 $0x4900;
	s18 =	simm.s32 $0x5100;
	[dreg:$0xa] =	wrdreg s15  }
0xb: {  	s19 =	simm.s32 $0x5900;
	s20 =	simm.s32 $0x6100;
	[dreg:$0xb] =	wrdreg s16  }
0xc: {  	s21 =	simm.s32 $0x6900;
	s22 =	simm.s32 $0x7100;
	[dreg:$0xc] =	wrdreg s17  }
0xd: {  	s23 =	simm.s32 $0x7900;
	s24 =	simm.s32 $0x8900;
	[dreg:$0xd] =	wrdreg s18  }
0xe: {  	s26 =	simm.s32 $0x9100;
	s30 =	simm.s32 $0x9900;
	[dreg:$0xe] =	wrdreg s19  }
0xf: {  	s31 =	simm.s32 $0xA100;
	s28 =	simm.s32 $0x1;
	[dreg:$0xf] =	wrdreg s20  }
0x10: {  	s29 =	simm.s32 $0x2;
	s4 =	sand.u32 $0x1, s3;
	[dreg:$0x10] =	wrdreg s21  }
0x11: {  	s5 =	sshll.u32 s6, $0x11;
	s3 =	sadd.s32 $0x302000, s0;
	[dreg:$0x11] =	wrdreg s22  }
0x12: {  	s6 =	sshll.u32 s6, $0x9;
	s1 =	sadd.s32 s5, s1;
	[dreg:$0x12] =	wrdreg s23  }
0x13: {  	s5 =	sshll.u32 s4, $0x10;
	s8 =	sshll.u32 s4, $0x8;
	[dreg:$0x13] =	wrdreg s24  }
0x14: {  	s4 =	ssub.s32 $0x2, s4;
	s7 =	sadd.s32 $0x302300, s0;
	[dreg:$0x14] =	wrdreg s26  }
0x15: {  	s9 =	sadd.s32 $0x302500, s0;
	s10 =	sadd.s32 $0x302600, s0;
	[dreg:$0x15] =	wrdreg s30  }
0x16: {  	s11 =	sadd.s32 $0x302700, s0;
	s15 =	simm.s32 $0x8100;
	[dreg:$0x16] =	wrdreg s31  }
0x17: {  	s16 =	simm.s32 $0xA900;
	s17 =	simm.s32 $0xB100;
	s18 =	simm.s32 $0xB900  }
0x18: {  	s19 =	simm.s32 $0xC100;
	s20 =	simm.s32 $0xC900;
	s21 =	simm.s32 $0xD100  }
0x19: {  	s22 =	simm.s32 $0xD900;
	s23 =	simm.s32 $0xE100;
	s24 =	simm.s32 $0xE900  }
0x1a: {  	s26 =	simm.s32 $0xF900;
	s1 =	sadd.s32 s5, s1;
	s5 =	sor.u32 s8, s6  }
0x1b: {  	s14 =	sshrl.u32 s4, $0x1;
	s6 =	sadd.s32 $0x302200, s0;
	s8 =	sadd.s32 $0x302400, s0  }
0x1c: {  	[dreg:$0x3] =	wrdreg s1;
	s5 =	sshrl.u32 s5, $0x3;
	s4 =	ssub.s32 s4, s14  }
0x1d: {  	v2 =	vlaneseq.u32;
	s14 =	simm.s32 $0x100;
	s5 =	sadd.s32 s5, s0;
	s25 =	smax.u32 s4, $0x1  }
0x1e: {  	vm0 =	vmmov $0xffff;
	v1 =	vshrl.u32 v2, $0x3;
	s5 =	sadd.s32 $0x400, s5;
	[dreg:$0x18] =	wrdreg s25;
	s25 =	simm.s32 $0xF100  }
0x1f: {  	v0 =	vand.u32 $0x7, v2;
	v2 =	vor.u32 $0x8, v2;
	v1 =	vmul.u32 $0x8, v1;
	[dreg:$0x17] =	wrdreg s5;
	s5 =	sadd.s32 $0x302100, s0;
	s0 =	simm.s32 $0x0  }
.LBB2_1:
0x20: {  	s1 =	rddreg [dreg:$0x17];
	s12 =	simm.s32 $0x5  }
0x21: {  	[tilespmem:s2], [sflag:$0x5] =	stream.linear.gather [hbm4b:s1+s2], $0x100, $0x38;
	[tilespmem:$0x10100] =	vst v63  }
0x22: {  	_ =	swait.ge [sflag:s12], $0x100  }
0x23: {  	p0 =	por $0x1, $0x1;
	[sflag:s12] =	ssyncset.done $0x0  }
0x24: {  	s1 =	simm.s32 @!p0 $0x3;
	[sflag:s12] =	ssyncadd.s32 $0xFFFFFF00  }
0x25: {  	_ =	swait.ge @!p0 [sflag:s1], $0x8000  }
0x26: {  	[sflag:s1] =	ssyncset.done @!p0 $0x0  }
0x27: {  	s4 =	simm.s32 $0x10;
	[sflag:s1] =	ssyncadd.s32 @!p0 $0xFFFF8000  }
0x28: {  	v3 =	vld [tilespmem:s4+$0xFFFFFFF0];
	_ =	sdelay $0x4  }
0x29: {  	v4 =	vshll.u32 v3, $0x4  }
0x2a: {  	v3 =	vand.u32 $0x7, v3;
	v4 =	vand.u32 $0xFFFFFF80, v4  }
0x2b: {  	v3 =	vor.u32 v3, v4  }
0x2c: {  	v4 =	vperm.xlane v3, v0;
	_ =	sdelay $0x1  }
0x2d: {  	v4 =	vadd.s32 v1, v4;
	_ =	sdelay $0x4  }
0x2e: {  	[tilespmem:s14], [sflag:$0x1] =	stream.indirect_vreg.gather [hbm4b:s3+s2], $0x80, v4, vm0, $0xb8;
	[tilespmem:$0x10100] =	vst v63  }
0x2f: {  	s13 =	rddreg [dreg:$0x4]  }
0x30: {  	[tilespmem:s13], [sflag:$0x1] =	stream.indirect_vreg.gather [hbm4b:s5+s2], $0x80, v4, vm0, $0xb8;
	[tilespmem:$0x10100] =	vst v63  }
0x31: {  	s12 =	rddreg [dreg:$0x5]  }
0x32: {  	[tilespmem:s12], [sflag:$0x1] =	stream.indirect_vreg.gather [hbm4b:s6+s2], $0x80, v4, vm0, $0xb8;
	[tilespmem:$0x10100] =	vst v63  }
0x33: {  	s31 =	rddreg [dreg:$0x6]  }
0x34: {  	[tilespmem:s31], [sflag:$0x1] =	stream.indirect_vreg.gather [hbm4b:s7+s2], $0x80, v4, vm0, $0xb8;
	[tilespmem:$0x10100] =	vst v63  }
0x35: {  	s13 =	rddreg [dreg:$0x7]  }
0x36: {  	[tilespmem:s13], [sflag:$0x1] =	stream.indirect_vreg.gather [hbm4b:s8+s2], $0x80, v4, vm0, $0xb8;
	[tilespmem:$0x10100] =	vst v63  }
0x37: {  	v3 =	vperm.xlane v3, v2;
	s31 =	rddreg [dreg:$0x8]  }
0x38: {  	[tilespmem:s31], [sflag:$0x1] =	stream.indirect_vreg.gather [hbm4b:s9+s2], $0x80, v4, vm0, $0xb8;
	[tilespmem:$0x10100] =	vst v63  }
0x39: {  	v3 =	vadd.s32 v1, v3;
	s13 =	rddreg [dreg:$0x9]  }
0x3a: {  	[tilespmem:s13], [sflag:$0x1] =	stream.indirect_vreg.gather [hbm4b:s10+s2], $0x80, v4, vm0, $0xb8;
	[tilespmem:$0x10100] =	vst v63  }
0x3b: {  	s31 =	rddreg [dreg:$0xa]  }
0x3c: {  	[tilespmem:s31], [sflag:$0x1] =	stream.indirect_vreg.gather [hbm4b:s11+s2], $0x80, v4, vm0, $0xb8;
	[tilespmem:$0x10100] =	vst v63  }
0x3d: {  	s13 =	rddreg [dreg:$0xb]  }
0x3e: {  	[tilespmem:s13], [sflag:$0x1] =	stream.indirect_vreg.gather [hbm4b:s3+s2], $0x80, v3, vm0, $0xb8;
	[tilespmem:$0x10100] =	vst v63  }
0x3f: {  	s31 =	rddreg [dreg:$0xc]  }
0x40: {  	[tilespmem:s31], [sflag:$0x1] =	stream.indirect_vreg.gather [hbm4b:s5+s2], $0x80, v3, vm0, $0xb8;
	[tilespmem:$0x10100] =	vst v63  }
0x41: {  	s13 =	rddreg [dreg:$0xd]  }
0x42: {  	[tilespmem:s13], [sflag:$0x1] =	stream.indirect_vreg.gather [hbm4b:s6+s2], $0x80, v3, vm0, $0xb8;
	[tilespmem:$0x10100] =	vst v63  }
0x43: {  	s31 =	rddreg [dreg:$0xe]  }
0x44: {  	[tilespmem:s31], [sflag:$0x1] =	stream.indirect_vreg.gather [hbm4b:s7+s2], $0x80, v3, vm0, $0xb8;
	[tilespmem:$0x10100] =	vst v63  }
0x45: {  	s13 =	rddreg [dreg:$0xf]  }
0x46: {  	[tilespmem:s13], [sflag:$0x1] =	stream.indirect_vreg.gather [hbm4b:s8+s2], $0x80, v3, vm0, $0xb8;
	[tilespmem:$0x10100] =	vst v63  }
0x47: {  	s31 =	rddreg [dreg:$0x10]  }
0x48: {  	[tilespmem:s31], [sflag:$0x1] =	stream.indirect_vreg.gather [hbm4b:s9+s2], $0x80, v3, vm0, $0xb8;
	[tilespmem:$0x10100] =	vst v63  }
0x49: {  	s13 =	rddreg [dreg:$0x11]  }
0x4a: {  	[tilespmem:s13], [sflag:$0x1] =	stream.indirect_vreg.gather [hbm4b:s10+s2], $0x80, v3, vm0, $0xb8;
	[tilespmem:$0x10100] =	vst v63  }
0x4b: {  	s12 =	simm.s32 @!p0 $0x4;
	s31 =	rddreg [dreg:$0x12]  }
0x4c: {  	[tilespmem:s31], [sflag:$0x1] =	stream.indirect_vreg.gather [hbm4b:s11+s2], $0x80, v3, vm0, $0xb8;
	[tilespmem:$0x10100] =	vst v63  }
0x4d: {  	_ =	swait.ge @!p0 [sflag:s12], $0x8000  }
0x4e: {  	[sflag:s12] =	ssyncset.done @!p0 $0x0  }
0x4f: {  	[sflag:s12] =	ssyncadd.s32 @!p0 $0xFFFF8000  }
0x50: {  	v3 =	vld [tilespmem:s4+$0x0];
	_ =	sdelay $0x4  }
0x51: {  	v63 =	vshll.u32 v3, $0x4  }
0x52: {  	v3 =	vand.u32 $0x7, v3;
	v4 =	vand.u32 $0xFFFFFF80, v63  }
0x53: {  	v3 =	vor.u32 v3, v4  }
0x54: {  	v4 =	vperm.xlane v3, v0;
	_ =	sdelay $0x1  }
0x55: {  	v4 =	vadd.s32 v1, v4;
	_ =	sdelay $0x4  }
0x56: {  	[tilespmem:s15], [sflag:$0x2] =	stream.indirect_vreg.gather [hbm4b:s3+s2], $0x80, v4, vm0, $0xb8;
	[tilespmem:$0x10100] =	vst v63  }
0x57: {  	s13 =	rddreg [dreg:$0x13]  }
0x58: {  	[tilespmem:s13], [sflag:$0x2] =	stream.indirect_vreg.gather [hbm4b:s5+s2], $0x80, v4, vm0, $0xb8;
	[tilespmem:$0x10100] =	vst v63  }
0x59: {  	s31 =	rddreg [dreg:$0x14]  }
0x5a: {  	[tilespmem:s31], [sflag:$0x2] =	stream.indirect_vreg.gather [hbm4b:s6+s2], $0x80, v4, vm0, $0xb8;
	[tilespmem:$0x10100] =	vst v63  }
0x5b: {  	s12 =	rddreg [dreg:$0x15]  }
0x5c: {  	[tilespmem:s12], [sflag:$0x2] =	stream.indirect_vreg.gather [hbm4b:s7+s2], $0x80, v4, vm0, $0xb8;
	[tilespmem:$0x10100] =	vst v63  }
0x5d: {  	s13 =	rddreg [dreg:$0x16]  }
0x5e: {  	[tilespmem:s13], [sflag:$0x2] =	stream.indirect_vreg.gather [hbm4b:s8+s2], $0x80, v4, vm0, $0xb8;
	[tilespmem:$0x10100] =	vst v63  }
0x5f: {  	v3 =	vperm.xlane v3, v2  }
0x60: {  	[tilespmem:s16], [sflag:$0x2] =	stream.indirect_vreg.gather [hbm4b:s9+s2], $0x80, v4, vm0, $0xb8;
	[tilespmem:$0x10100] =	vst v63  }
0x61: {  	v3 =	vadd.s32 v1, v3  }
0x62: {  	[tilespmem:s17], [sflag:$0x2] =	stream.indirect_vreg.gather [hbm4b:s10+s2], $0x80, v4, vm0, $0xb8;
	[tilespmem:$0x10100] =	vst v63  }
0x63: {  	_ = 	snop  }
0x64: {  	[tilespmem:s18], [sflag:$0x2] =	stream.indirect_vreg.gather [hbm4b:s11+s2], $0x80, v4, vm0, $0xb8;
	[tilespmem:$0x10100] =	vst v63  }
0x65: {  	_ = 	snop  }
0x66: {  	[tilespmem:s19], [sflag:$0x2] =	stream.indirect_vreg.gather [hbm4b:s3+s2], $0x80, v3, vm0, $0xb8;
	[tilespmem:$0x10100] =	vst v63  }
0x67: {  	_ = 	snop  }
0x68: {  	[tilespmem:s20], [sflag:$0x2] =	stream.indirect_vreg.gather [hbm4b:s5+s2], $0x80, v3, vm0, $0xb8;
	[tilespmem:$0x10100] =	vst v63  }
0x69: {  	_ = 	snop  }
0x6a: {  	[tilespmem:s21], [sflag:$0x2] =	stream.indirect_vreg.gather [hbm4b:s6+s2], $0x80, v3, vm0, $0xb8;
	[tilespmem:$0x10100] =	vst v63  }
0x6b: {  	_ = 	snop  }
0x6c: {  	[tilespmem:s22], [sflag:$0x2] =	stream.indirect_vreg.gather [hbm4b:s7+s2], $0x80, v3, vm0, $0xb8;
	[tilespmem:$0x10100] =	vst v63  }
0x6d: {  	_ = 	snop  }
0x6e: {  	[tilespmem:s23], [sflag:$0x2] =	stream.indirect_vreg.gather [hbm4b:s8+s2], $0x80, v3, vm0, $0xb8;
	[tilespmem:$0x10100] =	vst v63  }
0x6f: {  	_ = 	snop  }
0x70: {  	[tilespmem:s24], [sflag:$0x2] =	stream.indirect_vreg.gather [hbm4b:s9+s2], $0x80, v3, vm0, $0xb8;
	[tilespmem:$0x10100] =	vst v63  }
0x71: {  	_ = 	snop  }
0x72: {  	[tilespmem:s25], [sflag:$0x2] =	stream.indirect_vreg.gather [hbm4b:s10+s2], $0x80, v3, vm0, $0xb8;
	[tilespmem:$0x10100] =	vst v63  }
0x73: {  	_ = 	snop  }
0x74: {  	[tilespmem:s26], [sflag:$0x2] =	stream.indirect_vreg.gather [hbm4b:s11+s2], $0x80, v3, vm0, $0xb8;
	[tilespmem:$0x10100] =	vst v63  }
0x75: {  	_ =	swait.ge [sflag:s28], $0x8000  }
0x76: {  	s31 =	rddreg [dreg:$0x3];
	[sflag:s28] =	ssyncset.done $0x0  }
0x77: {  	p1 =	por $0x0, $0x0;
	[sflag:s28] =	ssyncadd.s32 $0xFFFF8000;
	s13 =	sadd.s32 $0x0, s31  }
0x78: {  	[hbm4b:s13+s2] =	stream.linear.scatter [tilespmem:s14], [sflag:$0x3], $0x8000, $0x38;
	[tilespmem:$0x10100] =	vst v63  }
0x79: {  	s1 =	simm.s32 $0x2000;
	s4 =	simm.s32 $0x30;
	_ =	swait.ge [sflag:s29], $0x8000  }
0x7a: {  	s12 =	simm.s32 $0x4000;
	s30 =	sadd.s32 $0x1000, s13;
	[sflag:s29] =	ssyncset.done $0x0  }
.LBB2_2:
0x7b: {  	s31 =	simm.s32 @!p1 $0x3;
	[sflag:s29] =	ssyncadd.s32 $0xFFFF8000  }
0x7c: {  	[hbm4b:s30+s2] =	stream.linear.scatter [tilespmem:s15], [sflag:$0x4], $0x8000, $0x38;
	[tilespmem:$0x10100] =	vst v63  }
0x7d: {  	_ =	swait.ge @!p1 [sflag:s31], $0x8000  }
0x7e: {  	[sflag:s31] =	ssyncset.done @!p1 $0x0  }
0x7f: {  	[sflag:s31] =	ssyncadd.s32 @!p1 $0xFFFF8000  }
0x80: {  	v3 =	vld [tilespmem:s4+$0xFFFFFFF0];
	_ =	sdelay $0x4  }
0x81: {  	v4 =	vshll.u32 v3, $0x4  }
0x82: {  	v3 =	vand.u32 $0x7, v3;
	v4 =	vand.u32 $0xFFFFFF80, v4  }
0x83: {  	v3 =	vor.u32 v3, v4  }
0x84: {  	v4 =	vperm.xlane v3, v0;
	_ =	sdelay $0x1  }
0x85: {  	v4 =	vadd.s32 v1, v4;
	_ =	sdelay $0x4  }
0x86: {  	[tilespmem:s14], [sflag:$0x1] =	stream.indirect_vreg.gather [hbm4b:s3+s2], $0x80, v4, vm0, $0xb8;
	[tilespmem:$0x10100] =	vst v63  }
0x87: {  	s30 =	rddreg [dreg:$0x4]  }
0x88: {  	[tilespmem:s30], [sflag:$0x1] =	stream.indirect_vreg.gather [hbm4b:s5+s2], $0x80, v4, vm0, $0xb8;
	[tilespmem:$0x10100] =	vst v63  }
0x89: {  	s31 =	rddreg [dreg:$0x5]  }
0x8a: {  	[tilespmem:s31], [sflag:$0x1] =	stream.indirect_vreg.gather [hbm4b:s6+s2], $0x80, v4, vm0, $0xb8;
	[tilespmem:$0x10100] =	vst v63  }
0x8b: {  	s30 =	rddreg [dreg:$0x6]  }
0x8c: {  	[tilespmem:s30], [sflag:$0x1] =	stream.indirect_vreg.gather [hbm4b:s7+s2], $0x80, v4, vm0, $0xb8;
	[tilespmem:$0x10100] =	vst v63  }
0x8d: {  	s31 =	rddreg [dreg:$0x7]  }
0x8e: {  	[tilespmem:s31], [sflag:$0x1] =	stream.indirect_vreg.gather [hbm4b:s8+s2], $0x80, v4, vm0, $0xb8;
	[tilespmem:$0x10100] =	vst v63  }
0x8f: {  	v3 =	vperm.xlane v3, v2;
	s30 =	rddreg [dreg:$0x8]  }
0x90: {  	[tilespmem:s30], [sflag:$0x1] =	stream.indirect_vreg.gather [hbm4b:s9+s2], $0x80, v4, vm0, $0xb8;
	[tilespmem:$0x10100] =	vst v63  }
0x91: {  	v3 =	vadd.s32 v1, v3;
	s31 =	rddreg [dreg:$0x9]  }
0x92: {  	[tilespmem:s31], [sflag:$0x1] =	stream.indirect_vreg.gather [hbm4b:s10+s2], $0x80, v4, vm0, $0xb8;
	[tilespmem:$0x10100] =	vst v63  }
0x93: {  	s30 =	rddreg [dreg:$0xa]  }
0x94: {  	[tilespmem:s30], [sflag:$0x1] =	stream.indirect_vreg.gather [hbm4b:s11+s2], $0x80, v4, vm0, $0xb8;
	[tilespmem:$0x10100] =	vst v63  }
0x95: {  	s31 =	rddreg [dreg:$0xb]  }
0x96: {  	[tilespmem:s31], [sflag:$0x1] =	stream.indirect_vreg.gather [hbm4b:s3+s2], $0x80, v3, vm0, $0xb8;
	[tilespmem:$0x10100] =	vst v63  }
0x97: {  	s30 =	rddreg [dreg:$0xc]  }
0x98: {  	[tilespmem:s30], [sflag:$0x1] =	stream.indirect_vreg.gather [hbm4b:s5+s2], $0x80, v3, vm0, $0xb8;
	[tilespmem:$0x10100] =	vst v63  }
0x99: {  	s31 =	rddreg [dreg:$0xd]  }
0x9a: {  	[tilespmem:s31], [sflag:$0x1] =	stream.indirect_vreg.gather [hbm4b:s6+s2], $0x80, v3, vm0, $0xb8;
	[tilespmem:$0x10100] =	vst v63  }
0x9b: {  	s30 =	rddreg [dreg:$0xe]  }
0x9c: {  	[tilespmem:s30], [sflag:$0x1] =	stream.indirect_vreg.gather [hbm4b:s7+s2], $0x80, v3, vm0, $0xb8;
	[tilespmem:$0x10100] =	vst v63  }
0x9d: {  	s31 =	rddreg [dreg:$0xf]  }
0x9e: {  	[tilespmem:s31], [sflag:$0x1] =	stream.indirect_vreg.gather [hbm4b:s8+s2], $0x80, v3, vm0, $0xb8;
	[tilespmem:$0x10100] =	vst v63  }
0x9f: {  	s30 =	rddreg [dreg:$0x10]  }
0xa0: {  	[tilespmem:s30], [sflag:$0x1] =	stream.indirect_vreg.gather [hbm4b:s9+s2], $0x80, v3, vm0, $0xb8;
	[tilespmem:$0x10100] =	vst v63  }
0xa1: {  	s31 =	rddreg [dreg:$0x11]  }
0xa2: {  	[tilespmem:s31], [sflag:$0x1] =	stream.indirect_vreg.gather [hbm4b:s10+s2], $0x80, v3, vm0, $0xb8;
	[tilespmem:$0x10100] =	vst v63  }
0xa3: {  	s30 =	rddreg [dreg:$0x12];
	s31 =	simm.s32 @!p1 $0x4  }
0xa4: {  	[tilespmem:s30], [sflag:$0x1] =	stream.indirect_vreg.gather [hbm4b:s11+s2], $0x80, v3, vm0, $0xb8;
	[tilespmem:$0x10100] =	vst v63  }
0xa5: {  	_ =	swait.ge @!p1 [sflag:s31], $0x8000  }
0xa6: {  	[sflag:s31] =	ssyncset.done @!p1 $0x0  }
0xa7: {  	[sflag:s31] =	ssyncadd.s32 @!p1 $0xFFFF8000  }
0xa8: {  	v3 =	vld [tilespmem:s4+$0x0];
	_ =	sdelay $0x4  }
0xa9: {  	v63 =	vshll.u32 v3, $0x4  }
0xaa: {  	v3 =	vand.u32 $0x7, v3;
	v4 =	vand.u32 $0xFFFFFF80, v63  }
0xab: {  	v3 =	vor.u32 v3, v4  }
0xac: {  	v4 =	vperm.xlane v3, v0;
	_ =	sdelay $0x1  }
0xad: {  	v4 =	vadd.s32 v1, v4;
	_ =	sdelay $0x4  }
0xae: {  	[tilespmem:s15], [sflag:$0x2] =	stream.indirect_vreg.gather [hbm4b:s3+s2], $0x80, v4, vm0, $0xb8;
	[tilespmem:$0x10100] =	vst v63  }
0xaf: {  	s30 =	rddreg [dreg:$0x13]  }
0xb0: {  	[tilespmem:s30], [sflag:$0x2] =	stream.indirect_vreg.gather [hbm4b:s5+s2], $0x80, v4, vm0, $0xb8;
	[tilespmem:$0x10100] =	vst v63  }
0xb1: {  	s31 =	rddreg [dreg:$0x14]  }
0xb2: {  	[tilespmem:s31], [sflag:$0x2] =	stream.indirect_vreg.gather [hbm4b:s6+s2], $0x80, v4, vm0, $0xb8;
	[tilespmem:$0x10100] =	vst v63  }
0xb3: {  	s30 =	rddreg [dreg:$0x15]  }
0xb4: {  	[tilespmem:s30], [sflag:$0x2] =	stream.indirect_vreg.gather [hbm4b:s7+s2], $0x80, v4, vm0, $0xb8;
	[tilespmem:$0x10100] =	vst v63  }
0xb5: {  	s31 =	rddreg [dreg:$0x16]  }
0xb6: {  	[tilespmem:s31], [sflag:$0x2] =	stream.indirect_vreg.gather [hbm4b:s8+s2], $0x80, v4, vm0, $0xb8;
	[tilespmem:$0x10100] =	vst v63  }
0xb7: {  	v3 =	vperm.xlane v3, v2  }
0xb8: {  	[tilespmem:s16], [sflag:$0x2] =	stream.indirect_vreg.gather [hbm4b:s9+s2], $0x80, v4, vm0, $0xb8;
	[tilespmem:$0x10100] =	vst v63  }
0xb9: {  	v3 =	vadd.s32 v1, v3  }
0xba: {  	[tilespmem:s17], [sflag:$0x2] =	stream.indirect_vreg.gather [hbm4b:s10+s2], $0x80, v4, vm0, $0xb8;
	[tilespmem:$0x10100] =	vst v63  }
0xbb: {  	_ = 	snop  }
0xbc: {  	[tilespmem:s18], [sflag:$0x2] =	stream.indirect_vreg.gather [hbm4b:s11+s2], $0x80, v4, vm0, $0xb8;
	[tilespmem:$0x10100] =	vst v63  }
0xbd: {  	_ = 	snop  }
0xbe: {  	[tilespmem:s19], [sflag:$0x2] =	stream.indirect_vreg.gather [hbm4b:s3+s2], $0x80, v3, vm0, $0xb8;
	[tilespmem:$0x10100] =	vst v63  }
0xbf: {  	_ = 	snop  }
0xc0: {  	[tilespmem:s20], [sflag:$0x2] =	stream.indirect_vreg.gather [hbm4b:s5+s2], $0x80, v3, vm0, $0xb8;
	[tilespmem:$0x10100] =	vst v63  }
0xc1: {  	_ = 	snop  }
0xc2: {  	[tilespmem:s21], [sflag:$0x2] =	stream.indirect_vreg.gather [hbm4b:s6+s2], $0x80, v3, vm0, $0xb8;
	[tilespmem:$0x10100] =	vst v63  }
0xc3: {  	_ = 	snop  }
0xc4: {  	[tilespmem:s22], [sflag:$0x2] =	stream.indirect_vreg.gather [hbm4b:s7+s2], $0x80, v3, vm0, $0xb8;
	[tilespmem:$0x10100] =	vst v63  }
0xc5: {  	_ = 	snop  }
0xc6: {  	[tilespmem:s23], [sflag:$0x2] =	stream.indirect_vreg.gather [hbm4b:s8+s2], $0x80, v3, vm0, $0xb8;
	[tilespmem:$0x10100] =	vst v63  }
0xc7: {  	_ = 	snop  }
0xc8: {  	[tilespmem:s24], [sflag:$0x2] =	stream.indirect_vreg.gather [hbm4b:s9+s2], $0x80, v3, vm0, $0xb8;
	[tilespmem:$0x10100] =	vst v63  }
0xc9: {  	_ = 	snop  }
0xca: {  	[tilespmem:s25], [sflag:$0x2] =	stream.indirect_vreg.gather [hbm4b:s10+s2], $0x80, v3, vm0, $0xb8;
	[tilespmem:$0x10100] =	vst v63  }
0xcb: {  	s13 =	smov.u32 s12;
	s12 =	sadd.s32 $0x2000, s12  }
0xcc: {  	[tilespmem:s26], [sflag:$0x2] =	stream.indirect_vreg.gather [hbm4b:s11+s2], $0x80, v3, vm0, $0xb8;
	[tilespmem:$0x10100] =	vst v63  }
0xcd: {  	p0 =	sne.s32 s12, $0x10000;
	_ =	swait.ge [sflag:s28], $0x8000  }
.Ltmp0:
0xce: {  	s30 =	rddreg [dreg:$0x3];
	[sflag:s28] =	ssyncset.done $0x0;
	(pc) =	sbr.rel @p0 .LBB2_2-.Ltmp0, $4  }
0xcf: {  	[sflag:s28] =	ssyncadd.s32 $0xFFFF8000;
	s30 =	sadd.s32 s1, s30  }
0xd0: {  	[hbm4b:s30+s2] =	stream.linear.scatter [tilespmem:s14], [sflag:$0x3], $0x8000, $0x38;
	[tilespmem:$0x10100] =	vst v63  }
0xd1: {  	s4 =	sadd.s32 $0x20, s4;
	s1 =	smov.u32 s13;
	_ =	swait.ge [sflag:s29], $0x8000  }
0xd2: {  	p1 =	seq.s32 s1, $0x0;
	s30 =	sadd.s32 $0x1000, s30;
	[sflag:s29] =	ssyncset.done $0x0  }
0xd3: {  	s12 =	simm.s32 @!p1 $0x3;
	[sflag:s29] =	ssyncadd.s32 $0xFFFF8000  }
0xd4: {  	[hbm4b:s30+s2] =	stream.linear.scatter [tilespmem:s15], [sflag:$0x4], $0x8000, $0x38;
	[tilespmem:$0x10100] =	vst v63  }
0xd5: {  	_ =	swait.ge @!p1 [sflag:s12], $0x8000  }
0xd6: {  	[sflag:s12] =	ssyncset.done @!p1 $0x0  }
0xd7: {  	[sflag:s12] =	ssyncadd.s32 @!p1 $0xFFFF8000  }
0xd8: {  	v3 =	vld [tilespmem:s4+$0xFFFFFFF0];
	_ =	sdelay $0x4  }
0xd9: {  	v4 =	vshll.u32 v3, $0x4  }
0xda: {  	v3 =	vand.u32 $0x7, v3;
	v4 =	vand.u32 $0xFFFFFF80, v4  }
0xdb: {  	v3 =	vor.u32 v3, v4  }
0xdc: {  	v4 =	vperm.xlane v3, v0;
	_ =	sdelay $0x1  }
0xdd: {  	v4 =	vadd.s32 v1, v4;
	_ =	sdelay $0x4  }
0xde: {  	[tilespmem:s14], [sflag:$0x1] =	stream.indirect_vreg.gather [hbm4b:s3+s2], $0x80, v4, vm0, $0xb8;
	[tilespmem:$0x10100] =	vst v63  }
0xdf: {  	s30 =	rddreg [dreg:$0x4]  }
0xe0: {  	[tilespmem:s30], [sflag:$0x1] =	stream.indirect_vreg.gather [hbm4b:s5+s2], $0x80, v4, vm0, $0xb8;
	[tilespmem:$0x10100] =	vst v63  }
0xe1: {  	s13 =	rddreg [dreg:$0x5]  }
0xe2: {  	[tilespmem:s13], [sflag:$0x1] =	stream.indirect_vreg.gather [hbm4b:s6+s2], $0x80, v4, vm0, $0xb8;
	[tilespmem:$0x10100] =	vst v63  }
0xe3: {  	s31 =	rddreg [dreg:$0x6]  }
0xe4: {  	[tilespmem:s31], [sflag:$0x1] =	stream.indirect_vreg.gather [hbm4b:s7+s2], $0x80, v4, vm0, $0xb8;
	[tilespmem:$0x10100] =	vst v63  }
0xe5: {  	s30 =	rddreg [dreg:$0x7]  }
0xe6: {  	[tilespmem:s30], [sflag:$0x1] =	stream.indirect_vreg.gather [hbm4b:s8+s2], $0x80, v4, vm0, $0xb8;
	[tilespmem:$0x10100] =	vst v63  }
0xe7: {  	v3 =	vperm.xlane v3, v2;
	s31 =	rddreg [dreg:$0x8]  }
0xe8: {  	[tilespmem:s31], [sflag:$0x1] =	stream.indirect_vreg.gather [hbm4b:s9+s2], $0x80, v4, vm0, $0xb8;
	[tilespmem:$0x10100] =	vst v63  }
0xe9: {  	v3 =	vadd.s32 v1, v3;
	s30 =	rddreg [dreg:$0x9]  }
0xea: {  	[tilespmem:s30], [sflag:$0x1] =	stream.indirect_vreg.gather [hbm4b:s10+s2], $0x80, v4, vm0, $0xb8;
	[tilespmem:$0x10100] =	vst v63  }
0xeb: {  	s31 =	rddreg [dreg:$0xa]  }
0xec: {  	[tilespmem:s31], [sflag:$0x1] =	stream.indirect_vreg.gather [hbm4b:s11+s2], $0x80, v4, vm0, $0xb8;
	[tilespmem:$0x10100] =	vst v63  }
0xed: {  	s30 =	rddreg [dreg:$0xb]  }
0xee: {  	[tilespmem:s30], [sflag:$0x1] =	stream.indirect_vreg.gather [hbm4b:s3+s2], $0x80, v3, vm0, $0xb8;
	[tilespmem:$0x10100] =	vst v63  }
0xef: {  	s31 =	rddreg [dreg:$0xc]  }
0xf0: {  	[tilespmem:s31], [sflag:$0x1] =	stream.indirect_vreg.gather [hbm4b:s5+s2], $0x80, v3, vm0, $0xb8;
	[tilespmem:$0x10100] =	vst v63  }
0xf1: {  	s30 =	rddreg [dreg:$0xd]  }
0xf2: {  	[tilespmem:s30], [sflag:$0x1] =	stream.indirect_vreg.gather [hbm4b:s6+s2], $0x80, v3, vm0, $0xb8;
	[tilespmem:$0x10100] =	vst v63  }
0xf3: {  	s31 =	rddreg [dreg:$0xe]  }
0xf4: {  	[tilespmem:s31], [sflag:$0x1] =	stream.indirect_vreg.gather [hbm4b:s7+s2], $0x80, v3, vm0, $0xb8;
	[tilespmem:$0x10100] =	vst v63  }
0xf5: {  	s30 =	rddreg [dreg:$0xf]  }
0xf6: {  	[tilespmem:s30], [sflag:$0x1] =	stream.indirect_vreg.gather [hbm4b:s8+s2], $0x80, v3, vm0, $0xb8;
	[tilespmem:$0x10100] =	vst v63  }
0xf7: {  	s31 =	rddreg [dreg:$0x10]  }
0xf8: {  	[tilespmem:s31], [sflag:$0x1] =	stream.indirect_vreg.gather [hbm4b:s9+s2], $0x80, v3, vm0, $0xb8;
	[tilespmem:$0x10100] =	vst v63  }
0xf9: {  	s30 =	rddreg [dreg:$0x11]  }
0xfa: {  	[tilespmem:s30], [sflag:$0x1] =	stream.indirect_vreg.gather [hbm4b:s10+s2], $0x80, v3, vm0, $0xb8;
	[tilespmem:$0x10100] =	vst v63  }
0xfb: {  	s12 =	simm.s32 @!p1 $0x4;
	s31 =	rddreg [dreg:$0x12]  }
0xfc: {  	[tilespmem:s31], [sflag:$0x1] =	stream.indirect_vreg.gather [hbm4b:s11+s2], $0x80, v3, vm0, $0xb8;
	[tilespmem:$0x10100] =	vst v63  }
0xfd: {  	_ =	swait.ge @!p1 [sflag:s12], $0x8000  }
0xfe: {  	[sflag:s12] =	ssyncset.done @!p1 $0x0  }
0xff: {  	[sflag:s12] =	ssyncadd.s32 @!p1 $0xFFFF8000  }
0x100: {  	v3 =	vld [tilespmem:s4+$0x0];
	_ =	sdelay $0x4  }
0x101: {  	v63 =	vshll.u32 v3, $0x4  }
0x102: {  	v3 =	vand.u32 $0x7, v3;
	v4 =	vand.u32 $0xFFFFFF80, v63  }
0x103: {  	v3 =	vor.u32 v3, v4  }
0x104: {  	v4 =	vperm.xlane v3, v0;
	_ =	sdelay $0x1  }
0x105: {  	v4 =	vadd.s32 v1, v4;
	_ =	sdelay $0x4  }
0x106: {  	[tilespmem:s15], [sflag:$0x2] =	stream.indirect_vreg.gather [hbm4b:s3+s2], $0x80, v4, vm0, $0xb8;
	[tilespmem:$0x10100] =	vst v63  }
0x107: {  	s12 =	rddreg [dreg:$0x13]  }
0x108: {  	[tilespmem:s12], [sflag:$0x2] =	stream.indirect_vreg.gather [hbm4b:s5+s2], $0x80, v4, vm0, $0xb8;
	[tilespmem:$0x10100] =	vst v63  }
0x109: {  	s13 =	rddreg [dreg:$0x14]  }
0x10a: {  	[tilespmem:s13], [sflag:$0x2] =	stream.indirect_vreg.gather [hbm4b:s6+s2], $0x80, v4, vm0, $0xb8;
	[tilespmem:$0x10100] =	vst v63  }
0x10b: {  	s30 =	rddreg [dreg:$0x15]  }
0x10c: {  	[tilespmem:s30], [sflag:$0x2] =	stream.indirect_vreg.gather [hbm4b:s7+s2], $0x80, v4, vm0, $0xb8;
	[tilespmem:$0x10100] =	vst v63  }
0x10d: {  	s31 =	rddreg [dreg:$0x16]  }
0x10e: {  	[tilespmem:s31], [sflag:$0x2] =	stream.indirect_vreg.gather [hbm4b:s8+s2], $0x80, v4, vm0, $0xb8;
	[tilespmem:$0x10100] =	vst v63  }
0x10f: {  	v3 =	vperm.xlane v3, v2  }
0x110: {  	[tilespmem:s16], [sflag:$0x2] =	stream.indirect_vreg.gather [hbm4b:s9+s2], $0x80, v4, vm0, $0xb8;
	[tilespmem:$0x10100] =	vst v63  }
0x111: {  	v3 =	vadd.s32 v1, v3  }
0x112: {  	[tilespmem:s17], [sflag:$0x2] =	stream.indirect_vreg.gather [hbm4b:s10+s2], $0x80, v4, vm0, $0xb8;
	[tilespmem:$0x10100] =	vst v63  }
0x113: {  	_ = 	snop  }
0x114: {  	[tilespmem:s18], [sflag:$0x2] =	stream.indirect_vreg.gather [hbm4b:s11+s2], $0x80, v4, vm0, $0xb8;
	[tilespmem:$0x10100] =	vst v63  }
0x115: {  	_ = 	snop  }
0x116: {  	[tilespmem:s19], [sflag:$0x2] =	stream.indirect_vreg.gather [hbm4b:s3+s2], $0x80, v3, vm0, $0xb8;
	[tilespmem:$0x10100] =	vst v63  }
0x117: {  	_ = 	snop  }
0x118: {  	[tilespmem:s20], [sflag:$0x2] =	stream.indirect_vreg.gather [hbm4b:s5+s2], $0x80, v3, vm0, $0xb8;
	[tilespmem:$0x10100] =	vst v63  }
0x119: {  	_ = 	snop  }
0x11a: {  	[tilespmem:s21], [sflag:$0x2] =	stream.indirect_vreg.gather [hbm4b:s6+s2], $0x80, v3, vm0, $0xb8;
	[tilespmem:$0x10100] =	vst v63  }
0x11b: {  	_ = 	snop  }
0x11c: {  	[tilespmem:s22], [sflag:$0x2] =	stream.indirect_vreg.gather [hbm4b:s7+s2], $0x80, v3, vm0, $0xb8;
	[tilespmem:$0x10100] =	vst v63  }
0x11d: {  	_ = 	snop  }
0x11e: {  	[tilespmem:s23], [sflag:$0x2] =	stream.indirect_vreg.gather [hbm4b:s8+s2], $0x80, v3, vm0, $0xb8;
	[tilespmem:$0x10100] =	vst v63  }
0x11f: {  	_ = 	snop  }
0x120: {  	[tilespmem:s24], [sflag:$0x2] =	stream.indirect_vreg.gather [hbm4b:s9+s2], $0x80, v3, vm0, $0xb8;
	[tilespmem:$0x10100] =	vst v63  }
0x121: {  	_ = 	snop  }
0x122: {  	[tilespmem:s25], [sflag:$0x2] =	stream.indirect_vreg.gather [hbm4b:s10+s2], $0x80, v3, vm0, $0xb8;
	[tilespmem:$0x10100] =	vst v63  }
0x123: {  	_ = 	snop  }
0x124: {  	[tilespmem:s26], [sflag:$0x2] =	stream.indirect_vreg.gather [hbm4b:s11+s2], $0x80, v3, vm0, $0xb8;
	[tilespmem:$0x10100] =	vst v63  }
0x125: {  	_ =	swait.ge [sflag:s28], $0x8000  }
0x126: {  	s12 =	rddreg [dreg:$0x3];
	[sflag:s28] =	ssyncset.done $0x0  }
0x127: {  	s1 =	sadd.s32 s1, s12;
	[sflag:s28] =	ssyncadd.s32 $0xFFFF8000  }
0x128: {  	[hbm4b:s1+s2] =	stream.linear.scatter [tilespmem:s14], [sflag:$0x3], $0x8000, $0x38;
	[tilespmem:$0x10100] =	vst v63  }
0x129: {  	_ =	swait.ge [sflag:s29], $0x8000  }
0x12a: {  	[sflag:s29] =	ssyncset.done $0x0  }
0x12b: {  	s13 =	simm.s32 $0x3;
	s1 =	sadd.s32 $0x1000, s1;
	[sflag:s29] =	ssyncadd.s32 $0xFFFF8000  }
0x12c: {  	[hbm4b:s1+s2] =	stream.linear.scatter [tilespmem:s15], [sflag:$0x4], $0x8000, $0x38;
	[tilespmem:$0x10100] =	vst v63  }
0x12d: {  	_ =	swait.ge [sflag:s13], $0x8000  }
0x12e: {  	[sflag:s13] =	ssyncset.done $0x0  }
0x12f: {  	s30 =	simm.s32 $0x4;
	[sflag:s13] =	ssyncadd.s32 $0xFFFF8000  }
0x130: {  	_ =	swait.ge [sflag:s30], $0x8000  }
0x131: {  	s0 =	sadd.s32 $0x1, s0;
	s31 =	rddreg [dreg:$0x18]  }
0x132: {  	p0 =	sne.s32 s0, s31  }
.Ltmp1:
0x133: {  	_ = 	snop;
	(pc) =	sbr.rel @p0 .LBB2_1-.Ltmp1, $3  }
0x134: {  	_ =	sdelay $0x1  }
0x135: {  	[sflag:s30] =	ssyncset.done $0x0  }
0x136: {  	[sflag:s30] =	ssyncadd.s32 $0xFFFF8000  }
0x137: {  	_ =	sfence.sel $0x180000  }
0x138: {  	[bflag:$0x0] =	sbarrier.arrive $0xFFFF  }
0x139: {  	_ =	strace $0x9000004A  }
0x13a: {  	s0 =	stileid.u32;
	[bflag:$0x2] =	sbarrier.arrive $0xFFFF  }
0x13b: {  	p0 =	sne.s32 s0, $0x0;
	s0 =	rddreg [dreg:$0x2]  }
0x13c: {  	s0 =	sadd.s32 @!p0 $0x100000, s0  }
0x13d: {  	[sflag:s0] =	ssyncadd.tile.s32 @!p0 $0x1;
	_ =	shalt  }
.Lfunc_end2:
_tile_overlayer_lowered:
.L_overlay_start_2:
0x13e: {  	(tag) =	ssettag $0x2  }
0x13f: {  	s0 =	rddreg [dreg:$0x0];
	s2 =	stileid.u32  }
0x140: {  	s1 =	rddreg [dreg:$0x1];
	p0 =	sne.s32 s2, $0x0  }
0x141: {  	s3 =	rddreg [dreg:$0x2];
	[bflag:$0x3] =	sbarrier.arrive $0xFFFF;
	s2 =	simm.s32 @!p0 $0x1C05  }
0x142: {  	[timem:s3], [sflag:s2] =	dma.local @!p0 [hbm:s0], s1  }
0x143: {  	s0 =	simm.s32 @!p0 $0x5  }
0x144: {  	_ =	swait.ge @!p0 [sflag:s0], s1  }
0x145: {  	s1 =	ssub.s32 @!p0 $0x0, s1;
	[sflag:s0] =	ssyncset.done @!p0 $0x0  }
0x146: {  	[sflag:s0] =	ssyncadd.s32 @!p0 s1  }
0x147: {  	[bflag:$0x3] =	sbarrier.arrive $0xFFFF  }
0x148: {  	_ =	shalt  }

</sc_bundles>
